<compile_context>
chip_gen: v7x
topology: tpu7x:2x2x1
jax: 0.10.2.dev20260603
libtpu: 0.0.44.dev20260713+nightly
codegen_flags: <defaults>
</compile_context>

<pallas_src>
import functools

import jax
import jax.numpy as jnp
from jax import lax
from jax.experimental import pallas as pl
from jax.experimental.pallas import tpu as pltpu
from jax.experimental.pallas import tpu_sc as plsc

_NC = 2
_NS = 16
_NW = _NC * _NS

_B = 128
_KP = 512
_D = 512
_NF = 16084
_NFP = 16128
_R = _B * _KP
_RPW = _R // _NW
_CH = 32
_NCH = _RPW // _CH
_TPW = 2 * _B // _NW

_T = 0.07
_INV_COUNT = 1.0 / (2 * _B)


def _tc_bank1_body(vcat_ref, m1_ref, out_ref):
    out_ref[...] = lax.dot_general(
        vcat_ref[...], m1_ref[...], (((1,), (1,)), ((), ())),
        precision=lax.Precision.DEFAULT, preferred_element_type=jnp.float32)


def _tc_bank1(vcat, m1):
    return pl.pallas_call(
        _tc_bank1_body,
        grid=(_NFP // 2304,),
        in_specs=[
            pl.BlockSpec((2 * _B, _D), lambda c: (0, 0)),
            pl.BlockSpec((2304, _D), lambda c: (c, 0)),
        ],
        out_specs=pl.BlockSpec((2 * _B, 2304), lambda c: (0, c)),
        out_shape=jax.ShapeDtypeStruct((2 * _B, _NFP), jnp.float32),
    )(vcat, m1)


def _sc_stage(mem2, idx2f, idx1f, p1t):
    mesh = plsc.VectorSubcoreMesh(core_axis_name="c", subcore_axis_name="s")

    @functools.partial(
        pl.kernel,
        mesh=mesh,
        out_type=(
            jax.ShapeDtypeStruct((_R, _D), jnp.float32),
            jax.ShapeDtypeStruct((2 * _B, _KP), jnp.float32),
        ),
        scratch_types=[
            pltpu.VMEM((_RPW,), jnp.int32),
            pltpu.VMEM((_CH, _D), jnp.float32),
            pltpu.VMEM((_CH, _D), jnp.float32),
            pltpu.VMEM((_CH, _D), jnp.float32),
            pltpu.VMEM((_TPW * _KP,), jnp.int32),
            pltpu.VMEM((_TPW * _KP,), jnp.int32),
            pltpu.VMEM((_TPW, _KP), jnp.float32),
            pltpu.SemaphoreType.DMA,
            pltpu.SemaphoreType.DMA,
            pltpu.SemaphoreType.DMA,
            pltpu.SemaphoreType.DMA,
            pltpu.SemaphoreType.DMA,
            pltpu.SemaphoreType.DMA,
            pltpu.SemaphoreType.DMA,
        ],
    )
    def k(m2, i2_hbm, i1_hbm, p1t_hbm, out2, out1,
          idx_v, buf_a, buf_b, buf_c, i1_v, ni_v, l1_v,
          gsem_a, gsem_b, gsem_c, wsem_a, wsem_b, wsem_c, psem):
        wid = lax.axis_index("s") * _NC + lax.axis_index("c")

        j0 = wid * _TPW
        b0 = lax.rem(j0, _B)
        pltpu.sync_copy(i1_hbm.at[pl.ds(b0 * _KP, _TPW * _KP)], i1_v)

        def mkidx(c, carry2):
            j = j0 + c // (_KP // 16)
            ni_v[pl.ds(c * 16, 16)] = i1_v[pl.ds(c * 16, 16)] + j * _NFP
            return carry2
        lax.fori_loop(0, _TPW * _KP // 16, mkidx, 0)
        for c in range(_TPW * _KP // 128):
            pltpu.async_copy(
                p1t_hbm.at[ni_v.at[pl.ds(c * 128, 128)]],
                l1_v.at[c // 4, pl.ds((c % 4) * 128, 128)], psem)

        base = wid * _RPW
        pltpu.sync_copy(i2_hbm.at[pl.ds(base, _RPW)], idx_v)

        def gather(c, buf, sem):
            c = jnp.minimum(c, _NCH - 1)
            pltpu.async_copy(m2.at[idx_v.at[pl.ds(c * _CH, _CH)]], buf, sem)

        def gwait(buf, sem):
            pltpu.make_async_copy(m2.at[idx_v.at[pl.ds(0, _CH)]], buf,
                                  sem).wait()

        def write(c, buf, sem):
            pltpu.async_copy(buf, out2.at[pl.ds(base + c * _CH, _CH)], sem)

        def wwait(buf, sem):
            pltpu.make_async_copy(buf, out2.at[pl.ds(0, _CH)], sem).wait()

        gather(0, buf_a, gsem_a)
        gather(1, buf_b, gsem_b)
        gather(2, buf_c, gsem_c)

        def ctri(c3, carry):
            c0 = c3 * 3
            gwait(buf_a, gsem_a)
            write(c0, buf_a, wsem_a)
            gwait(buf_b, gsem_b)
            write(c0 + 1, buf_b, wsem_b)
            gwait(buf_c, gsem_c)
            write(c0 + 2, buf_c, wsem_c)
            wwait(buf_a, wsem_a)
            gather(c0 + 3, buf_a, gsem_a)
            wwait(buf_b, wsem_b)
            gather(c0 + 4, buf_b, gsem_b)
            wwait(buf_c, wsem_c)
            gather(c0 + 5, buf_c, gsem_c)
            return carry
        lax.fori_loop(0, _NCH // 3, ctri, 0)
        gwait(buf_a, gsem_a)
        write(_NCH - 1, buf_a, wsem_a)
        gwait(buf_b, gsem_b)
        gwait(buf_c, gsem_c)
        wwait(buf_a, wsem_a)
        for c in range(_TPW * _KP // 128):
            pltpu.make_async_copy(
                p1t_hbm.at[ni_v.at[pl.ds(0, 128)]],
                l1_v.at[0, pl.ds(0, 128)], psem).wait()
        pltpu.sync_copy(l1_v, out1.at[pl.ds(j0, _TPW)])

    return k(mem2, idx2f, idx1f, p1t.reshape(-1))


_BB = 16


def _tc_loss_body(g2_ref, l1_ref, v1_ref, v2_ref, out_ref):
    s = pl.program_id(0)
    b0 = s * _BB
    vsel = jnp.concatenate([v1_ref[pl.ds(b0, _BB), :],
                            v2_ref[pl.ds(b0, _BB), :]], axis=0)
    full = lax.dot_general(vsel, g2_ref[...], (((1,), (1,)), ((), ())),
                           precision=lax.Precision.DEFAULT,
                           preferred_element_type=jnp.float32)
    adc2 = jnp.zeros((2 * _BB, _KP), jnp.float32)
    row = lax.broadcasted_iota(jnp.int32, (2 * _BB, _KP), 0)
    for i in range(_BB):
        adc2 = jnp.where(row % _BB == i, full[:, i * _KP:(i + 1) * _KP], adc2)
    l1b = jnp.concatenate([l1_ref[pl.ds(b0, _BB), :],
                           l1_ref[pl.ds(b0 + _B, _BB), :]], axis=0)
    adc = jnp.concatenate([l1b, adc2], axis=1) / _T
    m = jnp.max(adc, axis=1, keepdims=True)
    lse = m + jnp.log(jnp.sum(jnp.exp(adc - m), axis=1, keepdims=True))
    col = lax.broadcasted_iota(jnp.int32, adc.shape, 1)
    pos_mask = (col == 0) | (col == _KP)
    pos = jnp.sum(jnp.where(pos_mask, adc, 0.0), axis=1, keepdims=True)
    contrib = jnp.sum(pos * 0.5 - lse)
    prev = jnp.where(s == 0, 0.0, out_ref[0, 0])
    acc = prev + contrib
    out_ref[0, 0] = jnp.where(s == _B // _BB - 1, -acc * _INV_COUNT, acc)


def _tc_loss(g2, l1, v1, v2):
    out = pl.pallas_call(
        _tc_loss_body,
        grid=(_B // _BB,),
        in_specs=[
            pl.BlockSpec((_BB * _KP, _D), lambda s: (s, 0)),
            pl.BlockSpec((2 * _B, _KP), lambda s: (0, 0)),
            pl.BlockSpec((_B, _D), lambda s: (0, 0)),
            pl.BlockSpec((_B, _D), lambda s: (0, 0)),
        ],
        out_specs=pl.BlockSpec((1, 1), lambda s: (0, 0),
                               memory_space=pltpu.SMEM),
        out_shape=jax.ShapeDtypeStruct((1, 1), jnp.float32),
    )(g2, l1, v1, v2)
    return out[0, 0]


def kernel(v1, y1, v2, y2, idx1, idx2, memory_v1, memory_v2):
    vcat = jnp.concatenate([v1, v2], axis=0)
    p1t = _tc_bank1(vcat, memory_v1)
    g2, l1 = _sc_stage(memory_v2, idx2.reshape(-1), idx1.reshape(-1), p1t)
    return _tc_loss(g2, l1, v1, v2)

# --- scband reference (transcript-rebuilt; emitter-appended) ---
"""Pipeline reference for scband-contrast-memory-13554916786346 (READ-ONLY COPY).

The authoritative reference and input builder live on the scoring server;
editing this copy changes nothing except your own understanding.
"""

import jax, jax.numpy as jnp
import numpy as np

B = 128
K = 511
P = 1  # num_positive
D = 512
NF = 16084   # frontal memory rows
NP = 604731  # profile memory rows
T = 0.07
BASE_T = 0.07
MOMENTUM = 0.5


def setup_inputs(seed: int = 0) -> dict:
    key = jax.random.key(seed)
    ks = jax.random.split(key, 8)
    stdv = 1.0 / np.sqrt(D / 3.0)
    v1 = jax.random.normal(ks[0], (B, D), dtype=jnp.float32)
    v2 = jax.random.normal(ks[1], (B, D), dtype=jnp.float32)
    y1 = jnp.arange(B, dtype=jnp.int32)
    y2 = jnp.arange(B, dtype=jnp.int32)
    idx1 = jax.random.randint(ks[2], (B, K + P), 0, NF, dtype=jnp.int32)
    idx2 = jax.random.randint(ks[3], (B, K + P), 0, NP, dtype=jnp.int32)
    memory_v1 = jax.random.uniform(ks[4], (NF, D), dtype=jnp.float32) * (2 * stdv) - stdv
    memory_v2 = jax.random.uniform(ks[5], (NP, D), dtype=jnp.float32) * (2 * stdv) - stdv
    return {"v1": v1, "y1": y1, "v2": v2, "y2": y2, "idx1": idx1, "idx2": idx2,
            "memory_v1": memory_v1, "memory_v2": memory_v2}


def reference(v1, y1, v2, y2, idx1, idx2, memory_v1, memory_v2):
    batchSize = v1.shape[0]
    inputSize = memory_v1.shape[1]
    # gather one positive + K negatives from each memory bank (detached in torch)
    weight_v1 = jnp.take(memory_v1, idx1.reshape(-1), axis=0).reshape(batchSize, K + P, inputSize)
    weight_v2 = jnp.take(memory_v2, idx2.reshape(-1), axis=0).reshape(batchSize, K + P, inputSize)
    weight = jnp.concatenate([weight_v1, weight_v2], axis=1)
    weight = jnp.tile(weight, (2, 1, 1))
    v = jnp.concatenate([v1, v2], axis=0)
    # bmm(weight, v.view(2B, D, 1)) / T
    anchor_dot_contrast = jnp.einsum('bkd,bd->bk', weight, v) / T
    logits_max = jnp.max(anchor_dot_contrast, axis=1, keepdims=True)
    logits = anchor_dot_contrast - jax.lax.stop_gradient(logits_max)
    mask = jnp.zeros((weight.shape[0], weight.shape[1] // 2), dtype=jnp.float32)
    mask = mask.at[:, P - 1].set(1.0)
    mask = jnp.tile(mask, (1, 2))
    exp_logits = jnp.exp(logits)
    log_prob = logits - jnp.log(jnp.sum(exp_logits, axis=1, keepdims=True))
    mean_log_prob_pos = jnp.sum(mask * log_prob, axis=1) / jnp.sum(mask, axis=1)
    loss = -(T / BASE_T) * mean_log_prob_pos
    loss = jnp.mean(loss.reshape(2, batchSize))
    # memory update side-effect (torch no_grad path); computed for faithfulness
    l_pos = jnp.take(memory_v1, y1, axis=0) * MOMENTUM + v1 * (1.0 - MOMENTUM)
    l_norm = jnp.sqrt(jnp.sum(l_pos ** 2, axis=1, keepdims=True))
    _new_m1 = memory_v1.at[y1].set(l_pos / l_norm)
    ab_pos = jnp.take(memory_v2, y2, axis=0) * MOMENTUM + v2 * (1.0 - MOMENTUM)
    ab_norm = jnp.sqrt(jnp.sum(ab_pos ** 2, axis=1, keepdims=True))
    _new_m2 = memory_v2.at[y2].set(ab_pos / ab_norm)
    del _new_m1, _new_m2  # torch forward returns only the loss
    return loss

if __name__ == "__main__":
    import jax
    _d = setup_inputs()
    print(jax.jit(kernel)(*tuple(_d.values())))

</pallas_src>

<mosaic_0001>
#map = affine_map<(d0, d1) -> (0, 0)>
#map1 = affine_map<(d0, d1) -> (0)>
module attributes {stable_mosaic.version = 14 : i64} {
  func.func @k(%arg0: i32, %arg1: i32, %arg2: memref<604731x512xf32, #tpu.memory_space<hbm>>, %arg3: memref<65536xi32, #tpu.memory_space<hbm>>, %arg4: memref<65536xi32, #tpu.memory_space<hbm>>, %arg5: memref<4128768xf32, #tpu.memory_space<hbm>>, %arg6: memref<65536x512xf32, #tpu.memory_space<hbm>>, %arg7: memref<256x512xf32, #tpu.memory_space<hbm>>, %arg8: memref<2048xi32, #tpu.memory_space<vmem>>, %arg9: memref<32x512xf32, #tpu.memory_space<vmem>>, %arg10: memref<32x512xf32, #tpu.memory_space<vmem>>, %arg11: memref<32x512xf32, #tpu.memory_space<vmem>>, %arg12: memref<4096xi32, #tpu.memory_space<vmem>>, %arg13: memref<4096xi32, #tpu.memory_space<vmem>>, %arg14: memref<8x512xf32, #tpu.memory_space<vmem>>, %arg15: memref<!tpu.dma_semaphore, #tpu.memory_space<semaphore_mem>>, %arg16: memref<!tpu.dma_semaphore, #tpu.memory_space<semaphore_mem>>, %arg17: memref<!tpu.dma_semaphore, #tpu.memory_space<semaphore_mem>>, %arg18: memref<!tpu.dma_semaphore, #tpu.memory_space<semaphore_mem>>, %arg19: memref<!tpu.dma_semaphore, #tpu.memory_space<semaphore_mem>>, %arg20: memref<!tpu.dma_semaphore, #tpu.memory_space<semaphore_mem>>, %arg21: memref<!tpu.dma_semaphore, #tpu.memory_space<semaphore_mem>>) attributes {dimension_semantics = [#tpu.dimension_semantics<core_parallel>, #tpu.dimension_semantics<subcore_parallel>], iteration_bounds = array<i64: 2, 16>, scalar_prefetch = 0 : i64, scratch_operands = 14 : i64, tpu.core_type = #tpu.core_type<sc_vector_subcore>, window_params = [{transform_indices = #map}, {transform_indices = #map1}, {transform_indices = #map1}, {transform_indices = #map1}, {transform_indices = #map}, {transform_indices = #map}]} {
    %mul3A = arith.constant 2 : i32
    %mul3A_0 = arith.muli %arg1, %mul3A : i32
    %add3A = arith.addi %mul3A_0, %arg0 : i32
    %mul3A_1 = arith.constant 8 : i32
    %mul3A_2 = arith.muli %add3A, %mul3A_1 : i32
    %rem3A = arith.constant 128 : i32
    %rem3A_3 = arith.remsi %mul3A_2, %rem3A : i32
    %mul3A_4 = arith.constant 512 : i32
    %mul3A_5 = arith.muli %rem3A_3, %mul3A_4 : i32
    "tpu.region"() ({
      %run_scoped3A = tpu.sem_alloc : memref<!tpu.dma_semaphore, #tpu.memory_space<semaphore_mem>>
      %dma_start3A_582 = tpu.memref_slice %arg4[%mul3A_5] : memref<65536xi32, #tpu.memory_space<hbm>> -> memref<4096xi32, #tpu.memory_space<hbm>>
      %dma_start3A_583 = tpu.memref_slice %arg4[%mul3A_5] : memref<65536xi32, #tpu.memory_space<hbm>> -> memref<4096xi32, #tpu.memory_space<hbm>>
      tpu.enqueue_dma source(%dma_start3A_583 : memref<4096xi32, #tpu.memory_space<hbm>>) target(%arg12 : memref<4096xi32, #tpu.memory_space<vmem>>) target_semaphore(%run_scoped3A : memref<!tpu.dma_semaphore, #tpu.memory_space<semaphore_mem>>)
      %dma_wait3A_584 = tpu.memref_slice %arg4[%mul3A_5] : memref<65536xi32, #tpu.memory_space<hbm>> -> memref<4096xi32, #tpu.memory_space<hbm>>
      %dma_wait3A_585 = tpu.memref_slice %arg4[%mul3A_5] : memref<65536xi32, #tpu.memory_space<hbm>> -> memref<4096xi32, #tpu.memory_space<hbm>>
      tpu.wait_dma2 semaphore(%run_scoped3A : memref<!tpu.dma_semaphore, #tpu.memory_space<semaphore_mem>>) src(%dma_wait3A_585 : memref<4096xi32, #tpu.memory_space<hbm>>) dst(%arg12 : memref<4096xi32, #tpu.memory_space<vmem>>)
      tpu.yield
    }) : () -> ()
    %scan3A = arith.constant 0 : i32
    %scan3A_6 = arith.constant 0 : i32
    %scan3A_7 = arith.constant 256 : i32
    %scan3A_8 = arith.addi %scan3A_6, %scan3A_7 : i32
    %scan3A_9 = arith.constant 1 : i32
    scf.for %scan3A_582 = %scan3A_6 to %scan3A_8 step %scan3A_9  : i32 {
      %jit3A = arith.constant 32 : i32
      %div3A = arith.divsi %scan3A_582, %jit3A : i32
      %sign3A = arith.constant 0 : i32
      %sign3A_583 = arith.cmpi sgt, %scan3A_582, %sign3A : i32
      %sign3A_584 = arith.extui %sign3A_583 : i1 to i32
      %sign3A_585 = arith.constant 0 : i32
      %sign3A_586 = arith.cmpi slt, %scan3A_582, %sign3A_585 : i32
      %sign3A_587 = arith.extui %sign3A_586 : i1 to i32
      %sign3A_588 = arith.subi %sign3A_584, %sign3A_587 : i32
      %sign3A_589 = arith.constant 0 : i32
      %sign3A_590 = arith.cmpi sgt, %jit3A, %sign3A_589 : i32
      %sign3A_591 = arith.extui %sign3A_590 : i1 to i32
      %sign3A_592 = arith.constant 0 : i32
      %sign3A_593 = arith.cmpi slt, %jit3A, %sign3A_592 : i32
      %sign3A_594 = arith.extui %sign3A_593 : i1 to i32
      %sign3A_595 = arith.subi %sign3A_591, %sign3A_594 : i32
      %ne3A = arith.cmpi ne, %sign3A_588, %sign3A_595 : i32
      %rem3A_596 = arith.remsi %scan3A_582, %jit3A : i32
      %ne3A_597 = arith.constant 0 : i32
      %ne3A_598 = arith.cmpi ne, %rem3A_596, %ne3A_597 : i32
      %and3A = arith.andi %ne3A, %ne3A_598 : i1
      %sub3A = arith.constant 1 : i32
      %sub3A_599 = arith.subi %div3A, %sub3A : i32
      %select_n3A = arith.select %and3A, %sub3A_599, %div3A : i32
      %add3A_600 = arith.addi %mul3A_2, %select_n3A : i32
      %mul3A_601 = arith.constant 16 : i32
      %mul3A_602 = arith.muli %scan3A_582, %mul3A_601 : i32
      %get3A = arith.index_cast %mul3A_602 : i32 to index
      %get3A_603 = tpu.vector_load %arg12[%get3A] {strides = array<i32>} : memref<4096xi32, #tpu.memory_space<vmem>>, vector<16xi32>,
      %get3A_604 = vector.shape_cast %get3A_603 : vector<16xi32> to vector<16xi32>
      %mul3A_605 = arith.constant 16128 : i32
      %mul3A_606 = arith.muli %add3A_600, %mul3A_605 : i32
      %add3A_607 = vector.broadcast %mul3A_606 : i32 to vector<16xi32>
      %add3A_608 = arith.addi %get3A_604, %add3A_607 : vector<16xi32>
      %mul3A_609 = arith.constant 16 : i32
      %mul3A_610 = arith.muli %scan3A_582, %mul3A_609 : i32
      %swap3A = arith.index_cast %mul3A_610 : i32 to index
      %swap3A_611 = tpu.vector_load %arg13[%swap3A] {strides = array<i32>} : memref<4096xi32, #tpu.memory_space<vmem>>, vector<16xi32>,
      %swap3A_612 = vector.shape_cast %swap3A_611 : vector<16xi32> to vector<16xi32>
      %swap3A_613 = vector.shape_cast %add3A_608 : vector<16xi32> to vector<16xi32>
      tpu.vector_store %arg13[%swap3A], %swap3A_613 {strides = array<i32>} : memref<4096xi32, #tpu.memory_space<vmem>>, vector<16xi32>,
    }
    %scan3A_10 = arith.constant 256 : i32
    %dma_start3A = arith.constant 0 : i32
    %dma_start3A_11 = arith.constant 0 : i32
    %dma_start3A_12 = tpu.memref_slice %arg14[%dma_start3A, %dma_start3A_11] : memref<8x512xf32, #tpu.memory_space<vmem>> -> memref<1x128xf32, #tpu.memory_space<vmem>>
    %dma_start3A_13 = tpu.memref_squeeze %dma_start3A_12 : memref<1x128xf32, #tpu.memory_space<vmem>> -> memref<128xf32, #tpu.memory_space<vmem>>
    %dma_start3A_14 = arith.constant 0 : i32
    %dma_start3A_15 = tpu.memref_slice %arg13[%dma_start3A_14] : memref<4096xi32, #tpu.memory_space<vmem>> -> memref<128xi32, #tpu.memory_space<vmem>>
    %dma_start3A_16 = arith.constant 0 : i32
    %dma_start3A_17 = tpu.memref_slice %arg5[%dma_start3A_16] : memref<4128768xf32, #tpu.memory_space<hbm>> -> memref<4128768xf32, #tpu.memory_space<hbm>>
    tpu.enqueue_indirect_dma source(%dma_start3A_17 : memref<4128768xf32, #tpu.memory_space<hbm>>) target(%dma_start3A_13 : memref<128xf32, #tpu.memory_space<vmem>>) offsets(%dma_start3A_15 : memref<128xi32, #tpu.memory_space<vmem>>) semaphore(%arg21 : memref<!tpu.dma_semaphore, #tpu.memory_space<semaphore_mem>>)
    %dma_start3A_18 = arith.constant 0 : i32
    %dma_start3A_19 = arith.constant 128 : i32
    %dma_start3A_20 = tpu.memref_slice %arg14[%dma_start3A_18, %dma_start3A_19] : memref<8x512xf32, #tpu.memory_space<vmem>> -> memref<1x128xf32, #tpu.memory_space<vmem>>
    %dma_start3A_21 = tpu.memref_squeeze %dma_start3A_20 : memref<1x128xf32, #tpu.memory_space<vmem>> -> memref<128xf32, #tpu.memory_space<vmem>>
    %dma_start3A_22 = arith.constant 128 : i32
    %dma_start3A_23 = tpu.memref_slice %arg13[%dma_start3A_22] : memref<4096xi32, #tpu.memory_space<vmem>> -> memref<128xi32, #tpu.memory_space<vmem>>
    %dma_start3A_24 = arith.constant 0 : i32
    %dma_start3A_25 = tpu.memref_slice %arg5[%dma_start3A_24] : memref<4128768xf32, #tpu.memory_space<hbm>> -> memref<4128768xf32, #tpu.memory_space<hbm>>
    tpu.enqueue_indirect_dma source(%dma_start3A_25 : memref<4128768xf32, #tpu.memory_space<hbm>>) target(%dma_start3A_21 : memref<128xf32, #tpu.memory_space<vmem>>) offsets(%dma_start3A_23 : memref<128xi32, #tpu.memory_space<vmem>>) semaphore(%arg21 : memref<!tpu.dma_semaphore, #tpu.memory_space<semaphore_mem>>)
    %dma_start3A_26 = arith.constant 0 : i32
    %dma_start3A_27 = arith.constant 256 : i32
    %dma_start3A_28 = tpu.memref_slice %arg14[%dma_start3A_26, %dma_start3A_27] : memref<8x512xf32, #tpu.memory_space<vmem>> -> memref<1x128xf32, #tpu.memory_space<vmem>>
    %dma_start3A_29 = tpu.memref_squeeze %dma_start3A_28 : memref<1x128xf32, #tpu.memory_space<vmem>> -> memref<128xf32, #tpu.memory_space<vmem>>
    %dma_start3A_30 = arith.constant 256 : i32
    %dma_start3A_31 = tpu.memref_slice %arg13[%dma_start3A_30] : memref<4096xi32, #tpu.memory_space<vmem>> -> memref<128xi32, #tpu.memory_space<vmem>>
    %dma_start3A_32 = arith.constant 0 : i32
    %dma_start3A_33 = tpu.memref_slice %arg5[%dma_start3A_32] : memref<4128768xf32, #tpu.memory_space<hbm>> -> memref<4128768xf32, #tpu.memory_space<hbm>>
    tpu.enqueue_indirect_dma source(%dma_start3A_33 : memref<4128768xf32, #tpu.memory_space<hbm>>) target(%dma_start3A_29 : memref<128xf32, #tpu.memory_space<vmem>>) offsets(%dma_start3A_31 : memref<128xi32, #tpu.memory_space<vmem>>) semaphore(%arg21 : memref<!tpu.dma_semaphore, #tpu.memory_space<semaphore_mem>>)
    %dma_start3A_34 = arith.constant 0 : i32
    %dma_start3A_35 = arith.constant 384 : i32
    %dma_start3A_36 = tpu.memref_slice %arg14[%dma_start3A_34, %dma_start3A_35] : memref<8x512xf32, #tpu.memory_space<vmem>> -> memref<1x128xf32, #tpu.memory_space<vmem>>
    %dma_start3A_37 = tpu.memref_squeeze %dma_start3A_36 : memref<1x128xf32, #tpu.memory_space<vmem>> -> memref<128xf32, #tpu.memory_space<vmem>>
    %dma_start3A_38 = arith.constant 384 : i32
    %dma_start3A_39 = tpu.memref_slice %arg13[%dma_start3A_38] : memref<4096xi32, #tpu.memory_space<vmem>> -> memref<128xi32, #tpu.memory_space<vmem>>
    %dma_start3A_40 = arith.constant 0 : i32
    %dma_start3A_41 = tpu.memref_slice %arg5[%dma_start3A_40] : memref<4128768xf32, #tpu.memory_space<hbm>> -> memref<4128768xf32, #tpu.memory_space<hbm>>
    tpu.enqueue_indirect_dma source(%dma_start3A_41 : memref<4128768xf32, #tpu.memory_space<hbm>>) target(%dma_start3A_37 : memref<128xf32, #tpu.memory_space<vmem>>) offsets(%dma_start3A_39 : memref<128xi32, #tpu.memory_space<vmem>>) semaphore(%arg21 : memref<!tpu.dma_semaphore, #tpu.memory_space<semaphore_mem>>)
    %dma_start3A_42 = arith.constant 1 : i32
    %dma_start3A_43 = arith.constant 0 : i32
    %dma_start3A_44 = tpu.memref_slice %arg14[%dma_start3A_42, %dma_start3A_43] : memref<8x512xf32, #tpu.memory_space<vmem>> -> memref<1x128xf32, #tpu.memory_space<vmem>>
    %dma_start3A_45 = tpu.memref_squeeze %dma_start3A_44 : memref<1x128xf32, #tpu.memory_space<vmem>> -> memref<128xf32, #tpu.memory_space<vmem>>
    %dma_start3A_46 = arith.constant 512 : i32
    %dma_start3A_47 = tpu.memref_slice %arg13[%dma_start3A_46] : memref<4096xi32, #tpu.memory_space<vmem>> -> memref<128xi32, #tpu.memory_space<vmem>>
    %dma_start3A_48 = arith.constant 0 : i32
    %dma_start3A_49 = tpu.memref_slice %arg5[%dma_start3A_48] : memref<4128768xf32, #tpu.memory_space<hbm>> -> memref<4128768xf32, #tpu.memory_space<hbm>>
    tpu.enqueue_indirect_dma source(%dma_start3A_49 : memref<4128768xf32, #tpu.memory_space<hbm>>) target(%dma_start3A_45 : memref<128xf32, #tpu.memory_space<vmem>>) offsets(%dma_start3A_47 : memref<128xi32, #tpu.memory_space<vmem>>) semaphore(%arg21 : memref<!tpu.dma_semaphore, #tpu.memory_space<semaphore_mem>>)
    %dma_start3A_50 = arith.constant 1 : i32
    %dma_start3A_51 = arith.constant 128 : i32
    %dma_start3A_52 = tpu.memref_slice %arg14[%dma_start3A_50, %dma_start3A_51] : memref<8x512xf32, #tpu.memory_space<vmem>> -> memref<1x128xf32, #tpu.memory_space<vmem>>
    %dma_start3A_53 = tpu.memref_squeeze %dma_start3A_52 : memref<1x128xf32, #tpu.memory_space<vmem>> -> memref<128xf32, #tpu.memory_space<vmem>>
    %dma_start3A_54 = arith.constant 640 : i32
    %dma_start3A_55 = tpu.memref_slice %arg13[%dma_start3A_54] : memref<4096xi32, #tpu.memory_space<vmem>> -> memref<128xi32, #tpu.memory_space<vmem>>
    %dma_start3A_56 = arith.constant 0 : i32
    %dma_start3A_57 = tpu.memref_slice %arg5[%dma_start3A_56] : memref<4128768xf32, #tpu.memory_space<hbm>> -> memref<4128768xf32, #tpu.memory_space<hbm>>
    tpu.enqueue_indirect_dma source(%dma_start3A_57 : memref<4128768xf32, #tpu.memory_space<hbm>>) target(%dma_start3A_53 : memref<128xf32, #tpu.memory_space<vmem>>) offsets(%dma_start3A_55 : memref<128xi32, #tpu.memory_space<vmem>>) semaphore(%arg21 : memref<!tpu.dma_semaphore, #tpu.memory_space<semaphore_mem>>)
    %dma_start3A_58 = arith.constant 1 : i32
    %dma_start3A_59 = arith.constant 256 : i32
    %dma_start3A_60 = tpu.memref_slice %arg14[%dma_start3A_58, %dma_start3A_59] : memref<8x512xf32, #tpu.memory_space<vmem>> -> memref<1x128xf32, #tpu.memory_space<vmem>>
    %dma_start3A_61 = tpu.memref_squeeze %dma_start3A_60 : memref<1x128xf32, #tpu.memory_space<vmem>> -> memref<128xf32, #tpu.memory_space<vmem>>
    %dma_start3A_62 = arith.constant 768 : i32
    %dma_start3A_63 = tpu.memref_slice %arg13[%dma_start3A_62] : memref<4096xi32, #tpu.memory_space<vmem>> -> memref<128xi32, #tpu.memory_space<vmem>>
    %dma_start3A_64 = arith.constant 0 : i32
    %dma_start3A_65 = tpu.memref_slice %arg5[%dma_start3A_64] : memref<4128768xf32, #tpu.memory_space<hbm>> -> memref<4128768xf32, #tpu.memory_space<hbm>>
    tpu.enqueue_indirect_dma source(%dma_start3A_65 : memref<4128768xf32, #tpu.memory_space<hbm>>) target(%dma_start3A_61 : memref<128xf32, #tpu.memory_space<vmem>>) offsets(%dma_start3A_63 : memref<128xi32, #tpu.memory_space<vmem>>) semaphore(%arg21 : memref<!tpu.dma_semaphore, #tpu.memory_space<semaphore_mem>>)
    %dma_start3A_66 = arith.constant 1 : i32
    %dma_start3A_67 = arith.constant 384 : i32
    %dma_start3A_68 = tpu.memref_slice %arg14[%dma_start3A_66, %dma_start3A_67] : memref<8x512xf32, #tpu.memory_space<vmem>> -> memref<1x128xf32, #tpu.memory_space<vmem>>
    %dma_start3A_69 = tpu.memref_squeeze %dma_start3A_68 : memref<1x128xf32, #tpu.memory_space<vmem>> -> memref<128xf32, #tpu.memory_space<vmem>>
    %dma_start3A_70 = arith.constant 896 : i32
    %dma_start3A_71 = tpu.memref_slice %arg13[%dma_start3A_70] : memref<4096xi32, #tpu.memory_space<vmem>> -> memref<128xi32, #tpu.memory_space<vmem>>
    %dma_start3A_72 = arith.constant 0 : i32
    %dma_start3A_73 = tpu.memref_slice %arg5[%dma_start3A_72] : memref<4128768xf32, #tpu.memory_space<hbm>> -> memref<4128768xf32, #tpu.memory_space<hbm>>
    tpu.enqueue_indirect_dma source(%dma_start3A_73 : memref<4128768xf32, #tpu.memory_space<hbm>>) target(%dma_start3A_69 : memref<128xf32, #tpu.memory_space<vmem>>) offsets(%dma_start3A_71 : memref<128xi32, #tpu.memory_space<vmem>>) semaphore(%arg21 : memref<!tpu.dma_semaphore, #tpu.memory_space<semaphore_mem>>)
    %dma_start3A_74 = arith.constant 2 : i32
    %dma_start3A_75 = arith.constant 0 : i32
    %dma_start3A_76 = tpu.memref_slice %arg14[%dma_start3A_74, %dma_start3A_75] : memref<8x512xf32, #tpu.memory_space<vmem>> -> memref<1x128xf32, #tpu.memory_space<vmem>>
    %dma_start3A_77 = tpu.memref_squeeze %dma_start3A_76 : memref<1x128xf32, #tpu.memory_space<vmem>> -> memref<128xf32, #tpu.memory_space<vmem>>
    %dma_start3A_78 = arith.constant 1024 : i32
    %dma_start3A_79 = tpu.memref_slice %arg13[%dma_start3A_78] : memref<4096xi32, #tpu.memory_space<vmem>> -> memref<128xi32, #tpu.memory_space<vmem>>
    %dma_start3A_80 = arith.constant 0 : i32
    %dma_start3A_81 = tpu.memref_slice %arg5[%dma_start3A_80] : memref<4128768xf32, #tpu.memory_space<hbm>> -> memref<4128768xf32, #tpu.memory_space<hbm>>
    tpu.enqueue_indirect_dma source(%dma_start3A_81 : memref<4128768xf32, #tpu.memory_space<hbm>>) target(%dma_start3A_77 : memref<128xf32, #tpu.memory_space<vmem>>) offsets(%dma_start3A_79 : memref<128xi32, #tpu.memory_space<vmem>>) semaphore(%arg21 : memref<!tpu.dma_semaphore, #tpu.memory_space<semaphore_mem>>)
    %dma_start3A_82 = arith.constant 2 : i32
    %dma_start3A_83 = arith.constant 128 : i32
    %dma_start3A_84 = tpu.memref_slice %arg14[%dma_start3A_82, %dma_start3A_83] : memref<8x512xf32, #tpu.memory_space<vmem>> -> memref<1x128xf32, #tpu.memory_space<vmem>>
    %dma_start3A_85 = tpu.memref_squeeze %dma_start3A_84 : memref<1x128xf32, #tpu.memory_space<vmem>> -> memref<128xf32, #tpu.memory_space<vmem>>
    %dma_start3A_86 = arith.constant 1152 : i32
    %dma_start3A_87 = tpu.memref_slice %arg13[%dma_start3A_86] : memref<4096xi32, #tpu.memory_space<vmem>> -> memref<128xi32, #tpu.memory_space<vmem>>
    %dma_start3A_88 = arith.constant 0 : i32
    %dma_start3A_89 = tpu.memref_slice %arg5[%dma_start3A_88] : memref<4128768xf32, #tpu.memory_space<hbm>> -> memref<4128768xf32, #tpu.memory_space<hbm>>
    tpu.enqueue_indirect_dma source(%dma_start3A_89 : memref<4128768xf32, #tpu.memory_space<hbm>>) target(%dma_start3A_85 : memref<128xf32, #tpu.memory_space<vmem>>) offsets(%dma_start3A_87 : memref<128xi32, #tpu.memory_space<vmem>>) semaphore(%arg21 : memref<!tpu.dma_semaphore, #tpu.memory_space<semaphore_mem>>)
    %dma_start3A_90 = arith.constant 2 : i32
    %dma_start3A_91 = arith.constant 256 : i32
    %dma_start3A_92 = tpu.memref_slice %arg14[%dma_start3A_90, %dma_start3A_91] : memref<8x512xf32, #tpu.memory_space<vmem>> -> memref<1x128xf32, #tpu.memory_space<vmem>>
    %dma_start3A_93 = tpu.memref_squeeze %dma_start3A_92 : memref<1x128xf32, #tpu.memory_space<vmem>> -> memref<128xf32, #tpu.memory_space<vmem>>
    %dma_start3A_94 = arith.constant 1280 : i32
    %dma_start3A_95 = tpu.memref_slice %arg13[%dma_start3A_94] : memref<4096xi32, #tpu.memory_space<vmem>> -> memref<128xi32, #tpu.memory_space<vmem>>
    %dma_start3A_96 = arith.constant 0 : i32
    %dma_start3A_97 = tpu.memref_slice %arg5[%dma_start3A_96] : memref<4128768xf32, #tpu.memory_space<hbm>> -> memref<4128768xf32, #tpu.memory_space<hbm>>
    tpu.enqueue_indirect_dma source(%dma_start3A_97 : memref<4128768xf32, #tpu.memory_space<hbm>>) target(%dma_start3A_93 : memref<128xf32, #tpu.memory_space<vmem>>) offsets(%dma_start3A_95 : memref<128xi32, #tpu.memory_space<vmem>>) semaphore(%arg21 : memref<!tpu.dma_semaphore, #tpu.memory_space<semaphore_mem>>)
    %dma_start3A_98 = arith.constant 2 : i32
    %dma_start3A_99 = arith.constant 384 : i32
    %dma_start3A_100 = tpu.memref_slice %arg14[%dma_start3A_98, %dma_start3A_99] : memref<8x512xf32, #tpu.memory_space<vmem>> -> memref<1x128xf32, #tpu.memory_space<vmem>>
    %dma_start3A_101 = tpu.memref_squeeze %dma_start3A_100 : memref<1x128xf32, #tpu.memory_space<vmem>> -> memref<128xf32, #tpu.memory_space<vmem>>
    %dma_start3A_102 = arith.constant 1408 : i32
    %dma_start3A_103 = tpu.memref_slice %arg13[%dma_start3A_102] : memref<4096xi32, #tpu.memory_space<vmem>> -> memref<128xi32, #tpu.memory_space<vmem>>
    %dma_start3A_104 = arith.constant 0 : i32
    %dma_start3A_105 = tpu.memref_slice %arg5[%dma_start3A_104] : memref<4128768xf32, #tpu.memory_space<hbm>> -> memref<4128768xf32, #tpu.memory_space<hbm>>
    tpu.enqueue_indirect_dma source(%dma_start3A_105 : memref<4128768xf32, #tpu.memory_space<hbm>>) target(%dma_start3A_101 : memref<128xf32, #tpu.memory_space<vmem>>) offsets(%dma_start3A_103 : memref<128xi32, #tpu.memory_space<vmem>>) semaphore(%arg21 : memref<!tpu.dma_semaphore, #tpu.memory_space<semaphore_mem>>)
    %dma_start3A_106 = arith.constant 3 : i32
    %dma_start3A_107 = arith.constant 0 : i32
    %dma_start3A_108 = tpu.memref_slice %arg14[%dma_start3A_106, %dma_start3A_107] : memref<8x512xf32, #tpu.memory_space<vmem>> -> memref<1x128xf32, #tpu.memory_space<vmem>>
    %dma_start3A_109 = tpu.memref_squeeze %dma_start3A_108 : memref<1x128xf32, #tpu.memory_space<vmem>> -> memref<128xf32, #tpu.memory_space<vmem>>
    %dma_start3A_110 = arith.constant 1536 : i32
    %dma_start3A_111 = tpu.memref_slice %arg13[%dma_start3A_110] : memref<4096xi32, #tpu.memory_space<vmem>> -> memref<128xi32, #tpu.memory_space<vmem>>
    %dma_start3A_112 = arith.constant 0 : i32
    %dma_start3A_113 = tpu.memref_slice %arg5[%dma_start3A_112] : memref<4128768xf32, #tpu.memory_space<hbm>> -> memref<4128768xf32, #tpu.memory_space<hbm>>
    tpu.enqueue_indirect_dma source(%dma_start3A_113 : memref<4128768xf32, #tpu.memory_space<hbm>>) target(%dma_start3A_109 : memref<128xf32, #tpu.memory_space<vmem>>) offsets(%dma_start3A_111 : memref<128xi32, #tpu.memory_space<vmem>>) semaphore(%arg21 : memref<!tpu.dma_semaphore, #tpu.memory_space<semaphore_mem>>)
    %dma_start3A_114 = arith.constant 3 : i32
    %dma_start3A_115 = arith.constant 128 : i32
    %dma_start3A_116 = tpu.memref_slice %arg14[%dma_start3A_114, %dma_start3A_115] : memref<8x512xf32, #tpu.memory_space<vmem>> -> memref<1x128xf32, #tpu.memory_space<vmem>>
    %dma_start3A_117 = tpu.memref_squeeze %dma_start3A_116 : memref<1x128xf32, #tpu.memory_space<vmem>> -> memref<128xf32, #tpu.memory_space<vmem>>
    %dma_start3A_118 = arith.constant 1664 : i32
    %dma_start3A_119 = tpu.memref_slice %arg13[%dma_start3A_118] : memref<4096xi32, #tpu.memory_space<vmem>> -> memref<128xi32, #tpu.memory_space<vmem>>
    %dma_start3A_120 = arith.constant 0 : i32
    %dma_start3A_121 = tpu.memref_slice %arg5[%dma_start3A_120] : memref<4128768xf32, #tpu.memory_space<hbm>> -> memref<4128768xf32, #tpu.memory_space<hbm>>
    tpu.enqueue_indirect_dma source(%dma_start3A_121 : memref<4128768xf32, #tpu.memory_space<hbm>>) target(%dma_start3A_117 : memref<128xf32, #tpu.memory_space<vmem>>) offsets(%dma_start3A_119 : memref<128xi32, #tpu.memory_space<vmem>>) semaphore(%arg21 : memref<!tpu.dma_semaphore, #tpu.memory_space<semaphore_mem>>)
    %dma_start3A_122 = arith.constant 3 : i32
    %dma_start3A_123 = arith.constant 256 : i32
    %dma_start3A_124 = tpu.memref_slice %arg14[%dma_start3A_122, %dma_start3A_123] : memref<8x512xf32, #tpu.memory_space<vmem>> -> memref<1x128xf32, #tpu.memory_space<vmem>>
    %dma_start3A_125 = tpu.memref_squeeze %dma_start3A_124 : memref<1x128xf32, #tpu.memory_space<vmem>> -> memref<128xf32, #tpu.memory_space<vmem>>
    %dma_start3A_126 = arith.constant 1792 : i32
    %dma_start3A_127 = tpu.memref_slice %arg13[%dma_start3A_126] : memref<4096xi32, #tpu.memory_space<vmem>> -> memref<128xi32, #tpu.memory_space<vmem>>
    %dma_start3A_128 = arith.constant 0 : i32
    %dma_start3A_129 = tpu.memref_slice %arg5[%dma_start3A_128] : memref<4128768xf32, #tpu.memory_space<hbm>> -> memref<4128768xf32, #tpu.memory_space<hbm>>
    tpu.enqueue_indirect_dma source(%dma_start3A_129 : memref<4128768xf32, #tpu.memory_space<hbm>>) target(%dma_start3A_125 : memref<128xf32, #tpu.memory_space<vmem>>) offsets(%dma_start3A_127 : memref<128xi32, #tpu.memory_space<vmem>>) semaphore(%arg21 : memref<!tpu.dma_semaphore, #tpu.memory_space<semaphore_mem>>)
    %dma_start3A_130 = arith.constant 3 : i32
    %dma_start3A_131 = arith.constant 384 : i32
    %dma_start3A_132 = tpu.memref_slice %arg14[%dma_start3A_130, %dma_start3A_131] : memref<8x512xf32, #tpu.memory_space<vmem>> -> memref<1x128xf32, #tpu.memory_space<vmem>>
    %dma_start3A_133 = tpu.memref_squeeze %dma_start3A_132 : memref<1x128xf32, #tpu.memory_space<vmem>> -> memref<128xf32, #tpu.memory_space<vmem>>
    %dma_start3A_134 = arith.constant 1920 : i32
    %dma_start3A_135 = tpu.memref_slice %arg13[%dma_start3A_134] : memref<4096xi32, #tpu.memory_space<vmem>> -> memref<128xi32, #tpu.memory_space<vmem>>
    %dma_start3A_136 = arith.constant 0 : i32
    %dma_start3A_137 = tpu.memref_slice %arg5[%dma_start3A_136] : memref<4128768xf32, #tpu.memory_space<hbm>> -> memref<4128768xf32, #tpu.memory_space<hbm>>
    tpu.enqueue_indirect_dma source(%dma_start3A_137 : memref<4128768xf32, #tpu.memory_space<hbm>>) target(%dma_start3A_133 : memref<128xf32, #tpu.memory_space<vmem>>) offsets(%dma_start3A_135 : memref<128xi32, #tpu.memory_space<vmem>>) semaphore(%arg21 : memref<!tpu.dma_semaphore, #tpu.memory_space<semaphore_mem>>)
    %dma_start3A_138 = arith.constant 4 : i32
    %dma_start3A_139 = arith.constant 0 : i32
    %dma_start3A_140 = tpu.memref_slice %arg14[%dma_start3A_138, %dma_start3A_139] : memref<8x512xf32, #tpu.memory_space<vmem>> -> memref<1x128xf32, #tpu.memory_space<vmem>>
    %dma_start3A_141 = tpu.memref_squeeze %dma_start3A_140 : memref<1x128xf32, #tpu.memory_space<vmem>> -> memref<128xf32, #tpu.memory_space<vmem>>
    %dma_start3A_142 = arith.constant 2048 : i32
    %dma_start3A_143 = tpu.memref_slice %arg13[%dma_start3A_142] : memref<4096xi32, #tpu.memory_space<vmem>> -> memref<128xi32, #tpu.memory_space<vmem>>
    %dma_start3A_144 = arith.constant 0 : i32
    %dma_start3A_145 = tpu.memref_slice %arg5[%dma_start3A_144] : memref<4128768xf32, #tpu.memory_space<hbm>> -> memref<4128768xf32, #tpu.memory_space<hbm>>
    tpu.enqueue_indirect_dma source(%dma_start3A_145 : memref<4128768xf32, #tpu.memory_space<hbm>>) target(%dma_start3A_141 : memref<128xf32, #tpu.memory_space<vmem>>) offsets(%dma_start3A_143 : memref<128xi32, #tpu.memory_space<vmem>>) semaphore(%arg21 : memref<!tpu.dma_semaphore, #tpu.memory_space<semaphore_mem>>)
    %dma_start3A_146 = arith.constant 4 : i32
    %dma_start3A_147 = arith.constant 128 : i32
    %dma_start3A_148 = tpu.memref_slice %arg14[%dma_start3A_146, %dma_start3A_147] : memref<8x512xf32, #tpu.memory_space<vmem>> -> memref<1x128xf32, #tpu.memory_space<vmem>>
    %dma_start3A_149 = tpu.memref_squeeze %dma_start3A_148 : memref<1x128xf32, #tpu.memory_space<vmem>> -> memref<128xf32, #tpu.memory_space<vmem>>
    %dma_start3A_150 = arith.constant 2176 : i32
    %dma_start3A_151 = tpu.memref_slice %arg13[%dma_start3A_150] : memref<4096xi32, #tpu.memory_space<vmem>> -> memref<128xi32, #tpu.memory_space<vmem>>
    %dma_start3A_152 = arith.constant 0 : i32
    %dma_start3A_153 = tpu.memref_slice %arg5[%dma_start3A_152] : memref<4128768xf32, #tpu.memory_space<hbm>> -> memref<4128768xf32, #tpu.memory_space<hbm>>
    tpu.enqueue_indirect_dma source(%dma_start3A_153 : memref<4128768xf32, #tpu.memory_space<hbm>>) target(%dma_start3A_149 : memref<128xf32, #tpu.memory_space<vmem>>) offsets(%dma_start3A_151 : memref<128xi32, #tpu.memory_space<vmem>>) semaphore(%arg21 : memref<!tpu.dma_semaphore, #tpu.memory_space<semaphore_mem>>)
    %dma_start3A_154 = arith.constant 4 : i32
    %dma_start3A_155 = arith.constant 256 : i32
    %dma_start3A_156 = tpu.memref_slice %arg14[%dma_start3A_154, %dma_start3A_155] : memref<8x512xf32, #tpu.memory_space<vmem>> -> memref<1x128xf32, #tpu.memory_space<vmem>>
    %dma_start3A_157 = tpu.memref_squeeze %dma_start3A_156 : memref<1x128xf32, #tpu.memory_space<vmem>> -> memref<128xf32, #tpu.memory_space<vmem>>
    %dma_start3A_158 = arith.constant 2304 : i32
    %dma_start3A_159 = tpu.memref_slice %arg13[%dma_start3A_158] : memref<4096xi32, #tpu.memory_space<vmem>> -> memref<128xi32, #tpu.memory_space<vmem>>
    %dma_start3A_160 = arith.constant 0 : i32
    %dma_start3A_161 = tpu.memref_slice %arg5[%dma_start3A_160] : memref<4128768xf32, #tpu.memory_space<hbm>> -> memref<4128768xf32, #tpu.memory_space<hbm>>
    tpu.enqueue_indirect_dma source(%dma_start3A_161 : memref<4128768xf32, #tpu.memory_space<hbm>>) target(%dma_start3A_157 : memref<128xf32, #tpu.memory_space<vmem>>) offsets(%dma_start3A_159 : memref<128xi32, #tpu.memory_space<vmem>>) semaphore(%arg21 : memref<!tpu.dma_semaphore, #tpu.memory_space<semaphore_mem>>)
    %dma_start3A_162 = arith.constant 4 : i32
    %dma_start3A_163 = arith.constant 384 : i32
    %dma_start3A_164 = tpu.memref_slice %arg14[%dma_start3A_162, %dma_start3A_163] : memref<8x512xf32, #tpu.memory_space<vmem>> -> memref<1x128xf32, #tpu.memory_space<vmem>>
    %dma_start3A_165 = tpu.memref_squeeze %dma_start3A_164 : memref<1x128xf32, #tpu.memory_space<vmem>> -> memref<128xf32, #tpu.memory_space<vmem>>
    %dma_start3A_166 = arith.constant 2432 : i32
    %dma_start3A_167 = tpu.memref_slice %arg13[%dma_start3A_166] : memref<4096xi32, #tpu.memory_space<vmem>> -> memref<128xi32, #tpu.memory_space<vmem>>
    %dma_start3A_168 = arith.constant 0 : i32
    %dma_start3A_169 = tpu.memref_slice %arg5[%dma_start3A_168] : memref<4128768xf32, #tpu.memory_space<hbm>> -> memref<4128768xf32, #tpu.memory_space<hbm>>
    tpu.enqueue_indirect_dma source(%dma_start3A_169 : memref<4128768xf32, #tpu.memory_space<hbm>>) target(%dma_start3A_165 : memref<128xf32, #tpu.memory_space<vmem>>) offsets(%dma_start3A_167 : memref<128xi32, #tpu.memory_space<vmem>>) semaphore(%arg21 : memref<!tpu.dma_semaphore, #tpu.memory_space<semaphore_mem>>)
    %dma_start3A_170 = arith.constant 5 : i32
    %dma_start3A_171 = arith.constant 0 : i32
    %dma_start3A_172 = tpu.memref_slice %arg14[%dma_start3A_170, %dma_start3A_171] : memref<8x512xf32, #tpu.memory_space<vmem>> -> memref<1x128xf32, #tpu.memory_space<vmem>>
    %dma_start3A_173 = tpu.memref_squeeze %dma_start3A_172 : memref<1x128xf32, #tpu.memory_space<vmem>> -> memref<128xf32, #tpu.memory_space<vmem>>
    %dma_start3A_174 = arith.constant 2560 : i32
    %dma_start3A_175 = tpu.memref_slice %arg13[%dma_start3A_174] : memref<4096xi32, #tpu.memory_space<vmem>> -> memref<128xi32, #tpu.memory_space<vmem>>
    %dma_start3A_176 = arith.constant 0 : i32
    %dma_start3A_177 = tpu.memref_slice %arg5[%dma_start3A_176] : memref<4128768xf32, #tpu.memory_space<hbm>> -> memref<4128768xf32, #tpu.memory_space<hbm>>
    tpu.enqueue_indirect_dma source(%dma_start3A_177 : memref<4128768xf32, #tpu.memory_space<hbm>>) target(%dma_start3A_173 : memref<128xf32, #tpu.memory_space<vmem>>) offsets(%dma_start3A_175 : memref<128xi32, #tpu.memory_space<vmem>>) semaphore(%arg21 : memref<!tpu.dma_semaphore, #tpu.memory_space<semaphore_mem>>)
    %dma_start3A_178 = arith.constant 5 : i32
    %dma_start3A_179 = arith.constant 128 : i32
    %dma_start3A_180 = tpu.memref_slice %arg14[%dma_start3A_178, %dma_start3A_179] : memref<8x512xf32, #tpu.memory_space<vmem>> -> memref<1x128xf32, #tpu.memory_space<vmem>>
    %dma_start3A_181 = tpu.memref_squeeze %dma_start3A_180 : memref<1x128xf32, #tpu.memory_space<vmem>> -> memref<128xf32, #tpu.memory_space<vmem>>
    %dma_start3A_182 = arith.constant 2688 : i32
    %dma_start3A_183 = tpu.memref_slice %arg13[%dma_start3A_182] : memref<4096xi32, #tpu.memory_space<vmem>> -> memref<128xi32, #tpu.memory_space<vmem>>
    %dma_start3A_184 = arith.constant 0 : i32
    %dma_start3A_185 = tpu.memref_slice %arg5[%dma_start3A_184] : memref<4128768xf32, #tpu.memory_space<hbm>> -> memref<4128768xf32, #tpu.memory_space<hbm>>
    tpu.enqueue_indirect_dma source(%dma_start3A_185 : memref<4128768xf32, #tpu.memory_space<hbm>>) target(%dma_start3A_181 : memref<128xf32, #tpu.memory_space<vmem>>) offsets(%dma_start3A_183 : memref<128xi32, #tpu.memory_space<vmem>>) semaphore(%arg21 : memref<!tpu.dma_semaphore, #tpu.memory_space<semaphore_mem>>)
    %dma_start3A_186 = arith.constant 5 : i32
    %dma_start3A_187 = arith.constant 256 : i32
    %dma_start3A_188 = tpu.memref_slice %arg14[%dma_start3A_186, %dma_start3A_187] : memref<8x512xf32, #tpu.memory_space<vmem>> -> memref<1x128xf32, #tpu.memory_space<vmem>>
    %dma_start3A_189 = tpu.memref_squeeze %dma_start3A_188 : memref<1x128xf32, #tpu.memory_space<vmem>> -> memref<128xf32, #tpu.memory_space<vmem>>
    %dma_start3A_190 = arith.constant 2816 : i32
    %dma_start3A_191 = tpu.memref_slice %arg13[%dma_start3A_190] : memref<4096xi32, #tpu.memory_space<vmem>> -> memref<128xi32, #tpu.memory_space<vmem>>
    %dma_start3A_192 = arith.constant 0 : i32
    %dma_start3A_193 = tpu.memref_slice %arg5[%dma_start3A_192] : memref<4128768xf32, #tpu.memory_space<hbm>> -> memref<4128768xf32, #tpu.memory_space<hbm>>
    tpu.enqueue_indirect_dma source(%dma_start3A_193 : memref<4128768xf32, #tpu.memory_space<hbm>>) target(%dma_start3A_189 : memref<128xf32, #tpu.memory_space<vmem>>) offsets(%dma_start3A_191 : memref<128xi32, #tpu.memory_space<vmem>>) semaphore(%arg21 : memref<!tpu.dma_semaphore, #tpu.memory_space<semaphore_mem>>)
    %dma_start3A_194 = arith.constant 5 : i32
    %dma_start3A_195 = arith.constant 384 : i32
    %dma_start3A_196 = tpu.memref_slice %arg14[%dma_start3A_194, %dma_start3A_195] : memref<8x512xf32, #tpu.memory_space<vmem>> -> memref<1x128xf32, #tpu.memory_space<vmem>>
    %dma_start3A_197 = tpu.memref_squeeze %dma_start3A_196 : memref<1x128xf32, #tpu.memory_space<vmem>> -> memref<128xf32, #tpu.memory_space<vmem>>
    %dma_start3A_198 = arith.constant 2944 : i32
    %dma_start3A_199 = tpu.memref_slice %arg13[%dma_start3A_198] : memref<4096xi32, #tpu.memory_space<vmem>> -> memref<128xi32, #tpu.memory_space<vmem>>
    %dma_start3A_200 = arith.constant 0 : i32
    %dma_start3A_201 = tpu.memref_slice %arg5[%dma_start3A_200] : memref<4128768xf32, #tpu.memory_space<hbm>> -> memref<4128768xf32, #tpu.memory_space<hbm>>
    tpu.enqueue_indirect_dma source(%dma_start3A_201 : memref<4128768xf32, #tpu.memory_space<hbm>>) target(%dma_start3A_197 : memref<128xf32, #tpu.memory_space<vmem>>) offsets(%dma_start3A_199 : memref<128xi32, #tpu.memory_space<vmem>>) semaphore(%arg21 : memref<!tpu.dma_semaphore, #tpu.memory_space<semaphore_mem>>)
    %dma_start3A_202 = arith.constant 6 : i32
    %dma_start3A_203 = arith.constant 0 : i32
    %dma_start3A_204 = tpu.memref_slice %arg14[%dma_start3A_202, %dma_start3A_203] : memref<8x512xf32, #tpu.memory_space<vmem>> -> memref<1x128xf32, #tpu.memory_space<vmem>>
    %dma_start3A_205 = tpu.memref_squeeze %dma_start3A_204 : memref<1x128xf32, #tpu.memory_space<vmem>> -> memref<128xf32, #tpu.memory_space<vmem>>
    %dma_start3A_206 = arith.constant 3072 : i32
    %dma_start3A_207 = tpu.memref_slice %arg13[%dma_start3A_206] : memref<4096xi32, #tpu.memory_space<vmem>> -> memref<128xi32, #tpu.memory_space<vmem>>
    %dma_start3A_208 = arith.constant 0 : i32
    %dma_start3A_209 = tpu.memref_slice %arg5[%dma_start3A_208] : memref<4128768xf32, #tpu.memory_space<hbm>> -> memref<4128768xf32, #tpu.memory_space<hbm>>
    tpu.enqueue_indirect_dma source(%dma_start3A_209 : memref<4128768xf32, #tpu.memory_space<hbm>>) target(%dma_start3A_205 : memref<128xf32, #tpu.memory_space<vmem>>) offsets(%dma_start3A_207 : memref<128xi32, #tpu.memory_space<vmem>>) semaphore(%arg21 : memref<!tpu.dma_semaphore, #tpu.memory_space<semaphore_mem>>)
    %dma_start3A_210 = arith.constant 6 : i32
    %dma_start3A_211 = arith.constant 128 : i32
    %dma_start3A_212 = tpu.memref_slice %arg14[%dma_start3A_210, %dma_start3A_211] : memref<8x512xf32, #tpu.memory_space<vmem>> -> memref<1x128xf32, #tpu.memory_space<vmem>>
    %dma_start3A_213 = tpu.memref_squeeze %dma_start3A_212 : memref<1x128xf32, #tpu.memory_space<vmem>> -> memref<128xf32, #tpu.memory_space<vmem>>
    %dma_start3A_214 = arith.constant 3200 : i32
    %dma_start3A_215 = tpu.memref_slice %arg13[%dma_start3A_214] : memref<4096xi32, #tpu.memory_space<vmem>> -> memref<128xi32, #tpu.memory_space<vmem>>
    %dma_start3A_216 = arith.constant 0 : i32
    %dma_start3A_217 = tpu.memref_slice %arg5[%dma_start3A_216] : memref<4128768xf32, #tpu.memory_space<hbm>> -> memref<4128768xf32, #tpu.memory_space<hbm>>
    tpu.enqueue_indirect_dma source(%dma_start3A_217 : memref<4128768xf32, #tpu.memory_space<hbm>>) target(%dma_start3A_213 : memref<128xf32, #tpu.memory_space<vmem>>) offsets(%dma_start3A_215 : memref<128xi32, #tpu.memory_space<vmem>>) semaphore(%arg21 : memref<!tpu.dma_semaphore, #tpu.memory_space<semaphore_mem>>)
    %dma_start3A_218 = arith.constant 6 : i32
    %dma_start3A_219 = arith.constant 256 : i32
    %dma_start3A_220 = tpu.memref_slice %arg14[%dma_start3A_218, %dma_start3A_219] : memref<8x512xf32, #tpu.memory_space<vmem>> -> memref<1x128xf32, #tpu.memory_space<vmem>>
    %dma_start3A_221 = tpu.memref_squeeze %dma_start3A_220 : memref<1x128xf32, #tpu.memory_space<vmem>> -> memref<128xf32, #tpu.memory_space<vmem>>
    %dma_start3A_222 = arith.constant 3328 : i32
    %dma_start3A_223 = tpu.memref_slice %arg13[%dma_start3A_222] : memref<4096xi32, #tpu.memory_space<vmem>> -> memref<128xi32, #tpu.memory_space<vmem>>
    %dma_start3A_224 = arith.constant 0 : i32
    %dma_start3A_225 = tpu.memref_slice %arg5[%dma_start3A_224] : memref<4128768xf32, #tpu.memory_space<hbm>> -> memref<4128768xf32, #tpu.memory_space<hbm>>
    tpu.enqueue_indirect_dma source(%dma_start3A_225 : memref<4128768xf32, #tpu.memory_space<hbm>>) target(%dma_start3A_221 : memref<128xf32, #tpu.memory_space<vmem>>) offsets(%dma_start3A_223 : memref<128xi32, #tpu.memory_space<vmem>>) semaphore(%arg21 : memref<!tpu.dma_semaphore, #tpu.memory_space<semaphore_mem>>)
    %dma_start3A_226 = arith.constant 6 : i32
    %dma_start3A_227 = arith.constant 384 : i32
    %dma_start3A_228 = tpu.memref_slice %arg14[%dma_start3A_226, %dma_start3A_227] : memref<8x512xf32, #tpu.memory_space<vmem>> -> memref<1x128xf32, #tpu.memory_space<vmem>>
    %dma_start3A_229 = tpu.memref_squeeze %dma_start3A_228 : memref<1x128xf32, #tpu.memory_space<vmem>> -> memref<128xf32, #tpu.memory_space<vmem>>
    %dma_start3A_230 = arith.constant 3456 : i32
    %dma_start3A_231 = tpu.memref_slice %arg13[%dma_start3A_230] : memref<4096xi32, #tpu.memory_space<vmem>> -> memref<128xi32, #tpu.memory_space<vmem>>
    %dma_start3A_232 = arith.constant 0 : i32
    %dma_start3A_233 = tpu.memref_slice %arg5[%dma_start3A_232] : memref<4128768xf32, #tpu.memory_space<hbm>> -> memref<4128768xf32, #tpu.memory_space<hbm>>
    tpu.enqueue_indirect_dma source(%dma_start3A_233 : memref<4128768xf32, #tpu.memory_space<hbm>>) target(%dma_start3A_229 : memref<128xf32, #tpu.memory_space<vmem>>) offsets(%dma_start3A_231 : memref<128xi32, #tpu.memory_space<vmem>>) semaphore(%arg21 : memref<!tpu.dma_semaphore, #tpu.memory_space<semaphore_mem>>)
    %dma_start3A_234 = arith.constant 7 : i32
    %dma_start3A_235 = arith.constant 0 : i32
    %dma_start3A_236 = tpu.memref_slice %arg14[%dma_start3A_234, %dma_start3A_235] : memref<8x512xf32, #tpu.memory_space<vmem>> -> memref<1x128xf32, #tpu.memory_space<vmem>>
    %dma_start3A_237 = tpu.memref_squeeze %dma_start3A_236 : memref<1x128xf32, #tpu.memory_space<vmem>> -> memref<128xf32, #tpu.memory_space<vmem>>
    %dma_start3A_238 = arith.constant 3584 : i32
    %dma_start3A_239 = tpu.memref_slice %arg13[%dma_start3A_238] : memref<4096xi32, #tpu.memory_space<vmem>> -> memref<128xi32, #tpu.memory_space<vmem>>
    %dma_start3A_240 = arith.constant 0 : i32
    %dma_start3A_241 = tpu.memref_slice %arg5[%dma_start3A_240] : memref<4128768xf32, #tpu.memory_space<hbm>> -> memref<4128768xf32, #tpu.memory_space<hbm>>
    tpu.enqueue_indirect_dma source(%dma_start3A_241 : memref<4128768xf32, #tpu.memory_space<hbm>>) target(%dma_start3A_237 : memref<128xf32, #tpu.memory_space<vmem>>) offsets(%dma_start3A_239 : memref<128xi32, #tpu.memory_space<vmem>>) semaphore(%arg21 : memref<!tpu.dma_semaphore, #tpu.memory_space<semaphore_mem>>)
    %dma_start3A_242 = arith.constant 7 : i32
    %dma_start3A_243 = arith.constant 128 : i32
    %dma_start3A_244 = tpu.memref_slice %arg14[%dma_start3A_242, %dma_start3A_243] : memref<8x512xf32, #tpu.memory_space<vmem>> -> memref<1x128xf32, #tpu.memory_space<vmem>>
    %dma_start3A_245 = tpu.memref_squeeze %dma_start3A_244 : memref<1x128xf32, #tpu.memory_space<vmem>> -> memref<128xf32, #tpu.memory_space<vmem>>
    %dma_start3A_246 = arith.constant 3712 : i32
    %dma_start3A_247 = tpu.memref_slice %arg13[%dma_start3A_246] : memref<4096xi32, #tpu.memory_space<vmem>> -> memref<128xi32, #tpu.memory_space<vmem>>
    %dma_start3A_248 = arith.constant 0 : i32
    %dma_start3A_249 = tpu.memref_slice %arg5[%dma_start3A_248] : memref<4128768xf32, #tpu.memory_space<hbm>> -> memref<4128768xf32, #tpu.memory_space<hbm>>
    tpu.enqueue_indirect_dma source(%dma_start3A_249 : memref<4128768xf32, #tpu.memory_space<hbm>>) target(%dma_start3A_245 : memref<128xf32, #tpu.memory_space<vmem>>) offsets(%dma_start3A_247 : memref<128xi32, #tpu.memory_space<vmem>>) semaphore(%arg21 : memref<!tpu.dma_semaphore, #tpu.memory_space<semaphore_mem>>)
    %dma_start3A_250 = arith.constant 7 : i32
    %dma_start3A_251 = arith.constant 256 : i32
    %dma_start3A_252 = tpu.memref_slice %arg14[%dma_start3A_250, %dma_start3A_251] : memref<8x512xf32, #tpu.memory_space<vmem>> -> memref<1x128xf32, #tpu.memory_space<vmem>>
    %dma_start3A_253 = tpu.memref_squeeze %dma_start3A_252 : memref<1x128xf32, #tpu.memory_space<vmem>> -> memref<128xf32, #tpu.memory_space<vmem>>
    %dma_start3A_254 = arith.constant 3840 : i32
    %dma_start3A_255 = tpu.memref_slice %arg13[%dma_start3A_254] : memref<4096xi32, #tpu.memory_space<vmem>> -> memref<128xi32, #tpu.memory_space<vmem>>
    %dma_start3A_256 = arith.constant 0 : i32
    %dma_start3A_257 = tpu.memref_slice %arg5[%dma_start3A_256] : memref<4128768xf32, #tpu.memory_space<hbm>> -> memref<4128768xf32, #tpu.memory_space<hbm>>
    tpu.enqueue_indirect_dma source(%dma_start3A_257 : memref<4128768xf32, #tpu.memory_space<hbm>>) target(%dma_start3A_253 : memref<128xf32, #tpu.memory_space<vmem>>) offsets(%dma_start3A_255 : memref<128xi32, #tpu.memory_space<vmem>>) semaphore(%arg21 : memref<!tpu.dma_semaphore, #tpu.memory_space<semaphore_mem>>)
    %dma_start3A_258 = arith.constant 7 : i32
    %dma_start3A_259 = arith.constant 384 : i32
    %dma_start3A_260 = tpu.memref_slice %arg14[%dma_start3A_258, %dma_start3A_259] : memref<8x512xf32, #tpu.memory_space<vmem>> -> memref<1x128xf32, #tpu.memory_space<vmem>>
    %dma_start3A_261 = tpu.memref_squeeze %dma_start3A_260 : memref<1x128xf32, #tpu.memory_space<vmem>> -> memref<128xf32, #tpu.memory_space<vmem>>
    %dma_start3A_262 = arith.constant 3968 : i32
    %dma_start3A_263 = tpu.memref_slice %arg13[%dma_start3A_262] : memref<4096xi32, #tpu.memory_space<vmem>> -> memref<128xi32, #tpu.memory_space<vmem>>
    %dma_start3A_264 = arith.constant 0 : i32
    %dma_start3A_265 = tpu.memref_slice %arg5[%dma_start3A_264] : memref<4128768xf32, #tpu.memory_space<hbm>> -> memref<4128768xf32, #tpu.memory_space<hbm>>
    tpu.enqueue_indirect_dma source(%dma_start3A_265 : memref<4128768xf32, #tpu.memory_space<hbm>>) target(%dma_start3A_261 : memref<128xf32, #tpu.memory_space<vmem>>) offsets(%dma_start3A_263 : memref<128xi32, #tpu.memory_space<vmem>>) semaphore(%arg21 : memref<!tpu.dma_semaphore, #tpu.memory_space<semaphore_mem>>)
    %mul3A_266 = arith.constant 2048 : i32
    %mul3A_267 = arith.muli %add3A, %mul3A_266 : i32
    "tpu.region"() ({
      %run_scoped3A = tpu.sem_alloc : memref<!tpu.dma_semaphore, #tpu.memory_space<semaphore_mem>>
      %dma_start3A_582 = tpu.memref_slice %arg3[%mul3A_267] : memref<65536xi32, #tpu.memory_space<hbm>> -> memref<2048xi32, #tpu.memory_space<hbm>>
      %dma_start3A_583 = tpu.memref_slice %arg3[%mul3A_267] : memref<65536xi32, #tpu.memory_space<hbm>> -> memref<2048xi32, #tpu.memory_space<hbm>>
      tpu.enqueue_dma source(%dma_start3A_583 : memref<2048xi32, #tpu.memory_space<hbm>>) target(%arg8 : memref<2048xi32, #tpu.memory_space<vmem>>) target_semaphore(%run_scoped3A : memref<!tpu.dma_semaphore, #tpu.memory_space<semaphore_mem>>)
      %dma_wait3A_584 = tpu.memref_slice %arg3[%mul3A_267] : memref<65536xi32, #tpu.memory_space<hbm>> -> memref<2048xi32, #tpu.memory_space<hbm>>
      %dma_wait3A_585 = tpu.memref_slice %arg3[%mul3A_267] : memref<65536xi32, #tpu.memory_space<hbm>> -> memref<2048xi32, #tpu.memory_space<hbm>>
      tpu.wait_dma2 semaphore(%run_scoped3A : memref<!tpu.dma_semaphore, #tpu.memory_space<semaphore_mem>>) src(%dma_wait3A_585 : memref<2048xi32, #tpu.memory_space<hbm>>) dst(%arg8 : memref<2048xi32, #tpu.memory_space<vmem>>)
      tpu.yield
    }) : () -> ()
    %min3A = arith.constant 0 : i32
    %min3A_268 = arith.constant 63 : i32
    %min3A_269 = arith.minsi %min3A, %min3A_268 : i32
    %mul3A_270 = arith.constant 32 : i32
    %mul3A_271 = arith.muli %min3A_269, %mul3A_270 : i32
    %dma_start3A_272 = tpu.memref_slice %arg8[%mul3A_271] : memref<2048xi32, #tpu.memory_space<vmem>> -> memref<32xi32, #tpu.memory_space<vmem>>
    %dma_start3A_273 = arith.constant 0 : i32
    %dma_start3A_274 = arith.constant 0 : i32
    %dma_start3A_275 = tpu.memref_slice %arg2[%dma_start3A_273, %dma_start3A_274] : memref<604731x512xf32, #tpu.memory_space<hbm>> -> memref<604731x512xf32, #tpu.memory_space<hbm>>
    tpu.enqueue_indirect_dma source(%dma_start3A_275 : memref<604731x512xf32, #tpu.memory_space<hbm>>) target(%arg9 : memref<32x512xf32, #tpu.memory_space<vmem>>) offsets(%dma_start3A_272 : memref<32xi32, #tpu.memory_space<vmem>>) semaphore(%arg15 : memref<!tpu.dma_semaphore, #tpu.memory_space<semaphore_mem>>)
    %min3A_276 = arith.constant 1 : i32
    %min3A_277 = arith.constant 63 : i32
    %min3A_278 = arith.minsi %min3A_276, %min3A_277 : i32
    %mul3A_279 = arith.constant 32 : i32
    %mul3A_280 = arith.muli %min3A_278, %mul3A_279 : i32
    %dma_start3A_281 = tpu.memref_slice %arg8[%mul3A_280] : memref<2048xi32, #tpu.memory_space<vmem>> -> memref<32xi32, #tpu.memory_space<vmem>>
    %dma_start3A_282 = arith.constant 0 : i32
    %dma_start3A_283 = arith.constant 0 : i32
    %dma_start3A_284 = tpu.memref_slice %arg2[%dma_start3A_282, %dma_start3A_283] : memref<604731x512xf32, #tpu.memory_space<hbm>> -> memref<604731x512xf32, #tpu.memory_space<hbm>>
    tpu.enqueue_indirect_dma source(%dma_start3A_284 : memref<604731x512xf32, #tpu.memory_space<hbm>>) target(%arg10 : memref<32x512xf32, #tpu.memory_space<vmem>>) offsets(%dma_start3A_281 : memref<32xi32, #tpu.memory_space<vmem>>) semaphore(%arg16 : memref<!tpu.dma_semaphore, #tpu.memory_space<semaphore_mem>>)
    %min3A_285 = arith.constant 2 : i32
    %min3A_286 = arith.constant 63 : i32
    %min3A_287 = arith.minsi %min3A_285, %min3A_286 : i32
    %mul3A_288 = arith.constant 32 : i32
    %mul3A_289 = arith.muli %min3A_287, %mul3A_288 : i32
    %dma_start3A_290 = tpu.memref_slice %arg8[%mul3A_289] : memref<2048xi32, #tpu.memory_space<vmem>> -> memref<32xi32, #tpu.memory_space<vmem>>
    %dma_start3A_291 = arith.constant 0 : i32
    %dma_start3A_292 = arith.constant 0 : i32
    %dma_start3A_293 = tpu.memref_slice %arg2[%dma_start3A_291, %dma_start3A_292] : memref<604731x512xf32, #tpu.memory_space<hbm>> -> memref<604731x512xf32, #tpu.memory_space<hbm>>
    tpu.enqueue_indirect_dma source(%dma_start3A_293 : memref<604731x512xf32, #tpu.memory_space<hbm>>) target(%arg11 : memref<32x512xf32, #tpu.memory_space<vmem>>) offsets(%dma_start3A_290 : memref<32xi32, #tpu.memory_space<vmem>>) semaphore(%arg17 : memref<!tpu.dma_semaphore, #tpu.memory_space<semaphore_mem>>)
    %scan3A_294 = arith.constant 0 : i32
    %scan3A_295 = arith.constant 0 : i32
    %scan3A_296 = arith.constant 21 : i32
    %scan3A_297 = arith.addi %scan3A_295, %scan3A_296 : i32
    %scan3A_298 = arith.constant 1 : i32
    scf.for %scan3A_582 = %scan3A_295 to %scan3A_297 step %scan3A_298  : i32 {
      %mul3A_583 = arith.constant 3 : i32
      %mul3A_584 = arith.muli %scan3A_582, %mul3A_583 : i32
      %dma_wait3A_585 = arith.constant 0 : i32
      %dma_wait3A_586 = tpu.memref_slice %arg8[%dma_wait3A_585] : memref<2048xi32, #tpu.memory_space<vmem>> -> memref<32xi32, #tpu.memory_space<vmem>>
      %dma_wait3A_587 = arith.constant 0 : i32
      %dma_wait3A_588 = arith.constant 0 : i32
      %dma_wait3A_589 = tpu.memref_slice %arg2[%dma_wait3A_587, %dma_wait3A_588] : memref<604731x512xf32, #tpu.memory_space<hbm>> -> memref<604731x512xf32, #tpu.memory_space<hbm>>
      tpu.wait_indirect_dma semaphore(%arg15 : memref<!tpu.dma_semaphore, #tpu.memory_space<semaphore_mem>>) src(%dma_wait3A_589 : memref<604731x512xf32, #tpu.memory_space<hbm>>) dst(%arg9 : memref<32x512xf32, #tpu.memory_space<vmem>>)
      %mul3A_590 = arith.constant 32 : i32
      %mul3A_591 = arith.muli %mul3A_584, %mul3A_590 : i32
      %add3A_592 = arith.addi %mul3A_267, %mul3A_591 : i32
      %dma_start3A_593 = arith.constant 0 : i32
      %dma_start3A_594 = tpu.memref_slice %arg6[%add3A_592, %dma_start3A_593] : memref<65536x512xf32, #tpu.memory_space<hbm>> -> memref<32x512xf32, #tpu.memory_space<hbm>>
      %dma_start3A_595 = arith.constant 0 : i32
      %dma_start3A_596 = tpu.memref_slice %arg6[%add3A_592, %dma_start3A_595] : memref<65536x512xf32, #tpu.memory_space<hbm>> -> memref<32x512xf32, #tpu.memory_space<hbm>>
      tpu.enqueue_dma source(%arg9 : memref<32x512xf32, #tpu.memory_space<vmem>>) target(%dma_start3A_596 : memref<32x512xf32, #tpu.memory_space<hbm>>) target_semaphore(%arg18 : memref<!tpu.dma_semaphore, #tpu.memory_space<semaphore_mem>>)
      %dma_wait3A_597 = arith.constant 0 : i32
      %dma_wait3A_598 = tpu.memref_slice %arg8[%dma_wait3A_597] : memref<2048xi32, #tpu.memory_space<vmem>> -> memref<32xi32, #tpu.memory_space<vmem>>
      %dma_wait3A_599 = arith.constant 0 : i32
      %dma_wait3A_600 = arith.constant 0 : i32
      %dma_wait3A_601 = tpu.memref_slice %arg2[%dma_wait3A_599, %dma_wait3A_600] : memref<604731x512xf32, #tpu.memory_space<hbm>> -> memref<604731x512xf32, #tpu.memory_space<hbm>>
      tpu.wait_indirect_dma semaphore(%arg16 : memref<!tpu.dma_semaphore, #tpu.memory_space<semaphore_mem>>) src(%dma_wait3A_601 : memref<604731x512xf32, #tpu.memory_space<hbm>>) dst(%arg10 : memref<32x512xf32, #tpu.memory_space<vmem>>)
      %add3A_602 = arith.constant 1 : i32
      %add3A_603 = arith.addi %mul3A_584, %add3A_602 : i32
      %mul3A_604 = arith.constant 32 : i32
      %mul3A_605 = arith.muli %add3A_603, %mul3A_604 : i32
      %add3A_606 = arith.addi %mul3A_267, %mul3A_605 : i32
      %dma_start3A_607 = arith.constant 0 : i32
      %dma_start3A_608 = tpu.memref_slice %arg6[%add3A_606, %dma_start3A_607] : memref<65536x512xf32, #tpu.memory_space<hbm>> -> memref<32x512xf32, #tpu.memory_space<hbm>>
      %dma_start3A_609 = arith.constant 0 : i32
      %dma_start3A_610 = tpu.memref_slice %arg6[%add3A_606, %dma_start3A_609] : memref<65536x512xf32, #tpu.memory_space<hbm>> -> memref<32x512xf32, #tpu.memory_space<hbm>>
      tpu.enqueue_dma source(%arg10 : memref<32x512xf32, #tpu.memory_space<vmem>>) target(%dma_start3A_610 : memref<32x512xf32, #tpu.memory_space<hbm>>) target_semaphore(%arg19 : memref<!tpu.dma_semaphore, #tpu.memory_space<semaphore_mem>>)
      %dma_wait3A_611 = arith.constant 0 : i32
      %dma_wait3A_612 = tpu.memref_slice %arg8[%dma_wait3A_611] : memref<2048xi32, #tpu.memory_space<vmem>> -> memref<32xi32, #tpu.memory_space<vmem>>
      %dma_wait3A_613 = arith.constant 0 : i32
      %dma_wait3A_614 = arith.constant 0 : i32
      %dma_wait3A_615 = tpu.memref_slice %arg2[%dma_wait3A_613, %dma_wait3A_614] : memref<604731x512xf32, #tpu.memory_space<hbm>> -> memref<604731x512xf32, #tpu.memory_space<hbm>>
      tpu.wait_indirect_dma semaphore(%arg17 : memref<!tpu.dma_semaphore, #tpu.memory_space<semaphore_mem>>) src(%dma_wait3A_615 : memref<604731x512xf32, #tpu.memory_space<hbm>>) dst(%arg11 : memref<32x512xf32, #tpu.memory_space<vmem>>)
      %add3A_616 = arith.constant 2 : i32
      %add3A_617 = arith.addi %mul3A_584, %add3A_616 : i32
      %mul3A_618 = arith.constant 32 : i32
      %mul3A_619 = arith.muli %add3A_617, %mul3A_618 : i32
      %add3A_620 = arith.addi %mul3A_267, %mul3A_619 : i32
      %dma_start3A_621 = arith.constant 0 : i32
      %dma_start3A_622 = tpu.memref_slice %arg6[%add3A_620, %dma_start3A_621] : memref<65536x512xf32, #tpu.memory_space<hbm>> -> memref<32x512xf32, #tpu.memory_space<hbm>>
      %dma_start3A_623 = arith.constant 0 : i32
      %dma_start3A_624 = tpu.memref_slice %arg6[%add3A_620, %dma_start3A_623] : memref<65536x512xf32, #tpu.memory_space<hbm>> -> memref<32x512xf32, #tpu.memory_space<hbm>>
      tpu.enqueue_dma source(%arg11 : memref<32x512xf32, #tpu.memory_space<vmem>>) target(%dma_start3A_624 : memref<32x512xf32, #tpu.memory_space<hbm>>) target_semaphore(%arg20 : memref<!tpu.dma_semaphore, #tpu.memory_space<semaphore_mem>>)
      %dma_wait3A_625 = arith.constant 0 : i32
      %dma_wait3A_626 = arith.constant 0 : i32
      %dma_wait3A_627 = tpu.memref_slice %arg6[%dma_wait3A_625, %dma_wait3A_626] : memref<65536x512xf32, #tpu.memory_space<hbm>> -> memref<32x512xf32, #tpu.memory_space<hbm>>
      %dma_wait3A_628 = arith.constant 0 : i32
      %dma_wait3A_629 = arith.constant 0 : i32
      %dma_wait3A_630 = tpu.memref_slice %arg6[%dma_wait3A_628, %dma_wait3A_629] : memref<65536x512xf32, #tpu.memory_space<hbm>> -> memref<32x512xf32, #tpu.memory_space<hbm>>
      tpu.wait_dma2 semaphore(%arg18 : memref<!tpu.dma_semaphore, #tpu.memory_space<semaphore_mem>>) src(%arg9 : memref<32x512xf32, #tpu.memory_space<vmem>>) dst(%dma_wait3A_630 : memref<32x512xf32, #tpu.memory_space<hbm>>)
      %add3A_631 = arith.constant 3 : i32
      %add3A_632 = arith.addi %mul3A_584, %add3A_631 : i32
      %min3A_633 = arith.constant 63 : i32
      %min3A_634 = arith.minsi %add3A_632, %min3A_633 : i32
      %mul3A_635 = arith.constant 32 : i32
      %mul3A_636 = arith.muli %min3A_634, %mul3A_635 : i32
      %dma_start3A_637 = tpu.memref_slice %arg8[%mul3A_636] : memref<2048xi32, #tpu.memory_space<vmem>> -> memref<32xi32, #tpu.memory_space<vmem>>
      %dma_start3A_638 = arith.constant 0 : i32
      %dma_start3A_639 = arith.constant 0 : i32
      %dma_start3A_640 = tpu.memref_slice %arg2[%dma_start3A_638, %dma_start3A_639] : memref<604731x512xf32, #tpu.memory_space<hbm>> -> memref<604731x512xf32, #tpu.memory_space<hbm>>
      tpu.enqueue_indirect_dma source(%dma_start3A_640 : memref<604731x512xf32, #tpu.memory_space<hbm>>) target(%arg9 : memref<32x512xf32, #tpu.memory_space<vmem>>) offsets(%dma_start3A_637 : memref<32xi32, #tpu.memory_space<vmem>>) semaphore(%arg15 : memref<!tpu.dma_semaphore, #tpu.memory_space<semaphore_mem>>)
      %dma_wait3A_641 = arith.constant 0 : i32
      %dma_wait3A_642 = arith.constant 0 : i32
      %dma_wait3A_643 = tpu.memref_slice %arg6[%dma_wait3A_641, %dma_wait3A_642] : memref<65536x512xf32, #tpu.memory_space<hbm>> -> memref<32x512xf32, #tpu.memory_space<hbm>>
      %dma_wait3A_644 = arith.constant 0 : i32
      %dma_wait3A_645 = arith.constant 0 : i32
      %dma_wait3A_646 = tpu.memref_slice %arg6[%dma_wait3A_644, %dma_wait3A_645] : memref<65536x512xf32, #tpu.memory_space<hbm>> -> memref<32x512xf32, #tpu.memory_space<hbm>>
      tpu.wait_dma2 semaphore(%arg19 : memref<!tpu.dma_semaphore, #tpu.memory_space<semaphore_mem>>) src(%arg10 : memref<32x512xf32, #tpu.memory_space<vmem>>) dst(%dma_wait3A_646 : memref<32x512xf32, #tpu.memory_space<hbm>>)
      %add3A_647 = arith.constant 4 : i32
      %add3A_648 = arith.addi %mul3A_584, %add3A_647 : i32
      %min3A_649 = arith.constant 63 : i32
      %min3A_650 = arith.minsi %add3A_648, %min3A_649 : i32
      %mul3A_651 = arith.constant 32 : i32
      %mul3A_652 = arith.muli %min3A_650, %mul3A_651 : i32
      %dma_start3A_653 = tpu.memref_slice %arg8[%mul3A_652] : memref<2048xi32, #tpu.memory_space<vmem>> -> memref<32xi32, #tpu.memory_space<vmem>>
      %dma_start3A_654 = arith.constant 0 : i32
      %dma_start3A_655 = arith.constant 0 : i32
      %dma_start3A_656 = tpu.memref_slice %arg2[%dma_start3A_654, %dma_start3A_655] : memref<604731x512xf32, #tpu.memory_space<hbm>> -> memref<604731x512xf32, #tpu.memory_space<hbm>>
      tpu.enqueue_indirect_dma source(%dma_start3A_656 : memref<604731x512xf32, #tpu.memory_space<hbm>>) target(%arg10 : memref<32x512xf32, #tpu.memory_space<vmem>>) offsets(%dma_start3A_653 : memref<32xi32, #tpu.memory_space<vmem>>) semaphore(%arg16 : memref<!tpu.dma_semaphore, #tpu.memory_space<semaphore_mem>>)
      %dma_wait3A_657 = arith.constant 0 : i32
      %dma_wait3A_658 = arith.constant 0 : i32
      %dma_wait3A_659 = tpu.memref_slice %arg6[%dma_wait3A_657, %dma_wait3A_658] : memref<65536x512xf32, #tpu.memory_space<hbm>> -> memref<32x512xf32, #tpu.memory_space<hbm>>
      %dma_wait3A_660 = arith.constant 0 : i32
      %dma_wait3A_661 = arith.constant 0 : i32
      %dma_wait3A_662 = tpu.memref_slice %arg6[%dma_wait3A_660, %dma_wait3A_661] : memref<65536x512xf32, #tpu.memory_space<hbm>> -> memref<32x512xf32, #tpu.memory_space<hbm>>
      tpu.wait_dma2 semaphore(%arg20 : memref<!tpu.dma_semaphore, #tpu.memory_space<semaphore_mem>>) src(%arg11 : memref<32x512xf32, #tpu.memory_space<vmem>>) dst(%dma_wait3A_662 : memref<32x512xf32, #tpu.memory_space<hbm>>)
      %add3A_663 = arith.constant 5 : i32
      %add3A_664 = arith.addi %mul3A_584, %add3A_663 : i32
      %min3A_665 = arith.constant 63 : i32
      %min3A_666 = arith.minsi %add3A_664, %min3A_665 : i32
      %mul3A_667 = arith.constant 32 : i32
      %mul3A_668 = arith.muli %min3A_666, %mul3A_667 : i32
      %dma_start3A_669 = tpu.memref_slice %arg8[%mul3A_668] : memref<2048xi32, #tpu.memory_space<vmem>> -> memref<32xi32, #tpu.memory_space<vmem>>
      %dma_start3A_670 = arith.constant 0 : i32
      %dma_start3A_671 = arith.constant 0 : i32
      %dma_start3A_672 = tpu.memref_slice %arg2[%dma_start3A_670, %dma_start3A_671] : memref<604731x512xf32, #tpu.memory_space<hbm>> -> memref<604731x512xf32, #tpu.memory_space<hbm>>
      tpu.enqueue_indirect_dma source(%dma_start3A_672 : memref<604731x512xf32, #tpu.memory_space<hbm>>) target(%arg11 : memref<32x512xf32, #tpu.memory_space<vmem>>) offsets(%dma_start3A_669 : memref<32xi32, #tpu.memory_space<vmem>>) semaphore(%arg17 : memref<!tpu.dma_semaphore, #tpu.memory_space<semaphore_mem>>)
    }
    %scan3A_299 = arith.constant 21 : i32
    %dma_wait3A = arith.constant 0 : i32
    %dma_wait3A_300 = tpu.memref_slice %arg8[%dma_wait3A] : memref<2048xi32, #tpu.memory_space<vmem>> -> memref<32xi32, #tpu.memory_space<vmem>>
    %dma_wait3A_301 = arith.constant 0 : i32
    %dma_wait3A_302 = arith.constant 0 : i32
    %dma_wait3A_303 = tpu.memref_slice %arg2[%dma_wait3A_301, %dma_wait3A_302] : memref<604731x512xf32, #tpu.memory_space<hbm>> -> memref<604731x512xf32, #tpu.memory_space<hbm>>
    tpu.wait_indirect_dma semaphore(%arg15 : memref<!tpu.dma_semaphore, #tpu.memory_space<semaphore_mem>>) src(%dma_wait3A_303 : memref<604731x512xf32, #tpu.memory_space<hbm>>) dst(%arg9 : memref<32x512xf32, #tpu.memory_space<vmem>>)
    %add3A_304 = arith.constant 2016 : i32
    %add3A_305 = arith.addi %mul3A_267, %add3A_304 : i32
    %dma_start3A_306 = arith.constant 0 : i32
    %dma_start3A_307 = tpu.memref_slice %arg6[%add3A_305, %dma_start3A_306] : memref<65536x512xf32, #tpu.memory_space<hbm>> -> memref<32x512xf32, #tpu.memory_space<hbm>>
    %dma_start3A_308 = arith.constant 0 : i32
    %dma_start3A_309 = tpu.memref_slice %arg6[%add3A_305, %dma_start3A_308] : memref<65536x512xf32, #tpu.memory_space<hbm>> -> memref<32x512xf32, #tpu.memory_space<hbm>>
    tpu.enqueue_dma source(%arg9 : memref<32x512xf32, #tpu.memory_space<vmem>>) target(%dma_start3A_309 : memref<32x512xf32, #tpu.memory_space<hbm>>) target_semaphore(%arg18 : memref<!tpu.dma_semaphore, #tpu.memory_space<semaphore_mem>>)
    %dma_wait3A_310 = arith.constant 0 : i32
    %dma_wait3A_311 = tpu.memref_slice %arg8[%dma_wait3A_310] : memref<2048xi32, #tpu.memory_space<vmem>> -> memref<32xi32, #tpu.memory_space<vmem>>
    %dma_wait3A_312 = arith.constant 0 : i32
    %dma_wait3A_313 = arith.constant 0 : i32
    %dma_wait3A_314 = tpu.memref_slice %arg2[%dma_wait3A_312, %dma_wait3A_313] : memref<604731x512xf32, #tpu.memory_space<hbm>> -> memref<604731x512xf32, #tpu.memory_space<hbm>>
    tpu.wait_indirect_dma semaphore(%arg16 : memref<!tpu.dma_semaphore, #tpu.memory_space<semaphore_mem>>) src(%dma_wait3A_314 : memref<604731x512xf32, #tpu.memory_space<hbm>>) dst(%arg10 : memref<32x512xf32, #tpu.memory_space<vmem>>)
    %dma_wait3A_315 = arith.constant 0 : i32
    %dma_wait3A_316 = tpu.memref_slice %arg8[%dma_wait3A_315] : memref<2048xi32, #tpu.memory_space<vmem>> -> memref<32xi32, #tpu.memory_space<vmem>>
    %dma_wait3A_317 = arith.constant 0 : i32
    %dma_wait3A_318 = arith.constant 0 : i32
    %dma_wait3A_319 = tpu.memref_slice %arg2[%dma_wait3A_317, %dma_wait3A_318] : memref<604731x512xf32, #tpu.memory_space<hbm>> -> memref<604731x512xf32, #tpu.memory_space<hbm>>
    tpu.wait_indirect_dma semaphore(%arg17 : memref<!tpu.dma_semaphore, #tpu.memory_space<semaphore_mem>>) src(%dma_wait3A_319 : memref<604731x512xf32, #tpu.memory_space<hbm>>) dst(%arg11 : memref<32x512xf32, #tpu.memory_space<vmem>>)
    %dma_wait3A_320 = arith.constant 0 : i32
    %dma_wait3A_321 = arith.constant 0 : i32
    %dma_wait3A_322 = tpu.memref_slice %arg6[%dma_wait3A_320, %dma_wait3A_321] : memref<65536x512xf32, #tpu.memory_space<hbm>> -> memref<32x512xf32, #tpu.memory_space<hbm>>
    %dma_wait3A_323 = arith.constant 0 : i32
    %dma_wait3A_324 = arith.constant 0 : i32
    %dma_wait3A_325 = tpu.memref_slice %arg6[%dma_wait3A_323, %dma_wait3A_324] : memref<65536x512xf32, #tpu.memory_space<hbm>> -> memref<32x512xf32, #tpu.memory_space<hbm>>
    tpu.wait_dma2 semaphore(%arg18 : memref<!tpu.dma_semaphore, #tpu.memory_space<semaphore_mem>>) src(%arg9 : memref<32x512xf32, #tpu.memory_space<vmem>>) dst(%dma_wait3A_325 : memref<32x512xf32, #tpu.memory_space<hbm>>)
    %dma_wait3A_326 = arith.constant 0 : i32
    %dma_wait3A_327 = arith.constant 0 : i32
    %dma_wait3A_328 = tpu.memref_slice %arg14[%dma_wait3A_326, %dma_wait3A_327] : memref<8x512xf32, #tpu.memory_space<vmem>> -> memref<1x128xf32, #tpu.memory_space<vmem>>
    %dma_wait3A_329 = tpu.memref_squeeze %dma_wait3A_328 : memref<1x128xf32, #tpu.memory_space<vmem>> -> memref<128xf32, #tpu.memory_space<vmem>>
    %dma_wait3A_330 = arith.constant 0 : i32
    %dma_wait3A_331 = tpu.memref_slice %arg13[%dma_wait3A_330] : memref<4096xi32, #tpu.memory_space<vmem>> -> memref<128xi32, #tpu.memory_space<vmem>>
    %dma_wait3A_332 = arith.constant 0 : i32
    %dma_wait3A_333 = tpu.memref_slice %arg5[%dma_wait3A_332] : memref<4128768xf32, #tpu.memory_space<hbm>> -> memref<4128768xf32, #tpu.memory_space<hbm>>
    tpu.wait_indirect_dma semaphore(%arg21 : memref<!tpu.dma_semaphore, #tpu.memory_space<semaphore_mem>>) src(%dma_wait3A_333 : memref<4128768xf32, #tpu.memory_space<hbm>>) dst(%dma_wait3A_329 : memref<128xf32, #tpu.memory_space<vmem>>)
    %dma_wait3A_334 = arith.constant 0 : i32
    %dma_wait3A_335 = arith.constant 0 : i32
    %dma_wait3A_336 = tpu.memref_slice %arg14[%dma_wait3A_334, %dma_wait3A_335] : memref<8x512xf32, #tpu.memory_space<vmem>> -> memref<1x128xf32, #tpu.memory_space<vmem>>
    %dma_wait3A_337 = tpu.memref_squeeze %dma_wait3A_336 : memref<1x128xf32, #tpu.memory_space<vmem>> -> memref<128xf32, #tpu.memory_space<vmem>>
    %dma_wait3A_338 = arith.constant 0 : i32
    %dma_wait3A_339 = tpu.memref_slice %arg13[%dma_wait3A_338] : memref<4096xi32, #tpu.memory_space<vmem>> -> memref<128xi32, #tpu.memory_space<vmem>>
    %dma_wait3A_340 = arith.constant 0 : i32
    %dma_wait3A_341 = tpu.memref_slice %arg5[%dma_wait3A_340] : memref<4128768xf32, #tpu.memory_space<hbm>> -> memref<4128768xf32, #tpu.memory_space<hbm>>
    tpu.wait_indirect_dma semaphore(%arg21 : memref<!tpu.dma_semaphore, #tpu.memory_space<semaphore_mem>>) src(%dma_wait3A_341 : memref<4128768xf32, #tpu.memory_space<hbm>>) dst(%dma_wait3A_337 : memref<128xf32, #tpu.memory_space<vmem>>)
    %dma_wait3A_342 = arith.constant 0 : i32
    %dma_wait3A_343 = arith.constant 0 : i32
    %dma_wait3A_344 = tpu.memref_slice %arg14[%dma_wait3A_342, %dma_wait3A_343] : memref<8x512xf32, #tpu.memory_space<vmem>> -> memref<1x128xf32, #tpu.memory_space<vmem>>
    %dma_wait3A_345 = tpu.memref_squeeze %dma_wait3A_344 : memref<1x128xf32, #tpu.memory_space<vmem>> -> memref<128xf32, #tpu.memory_space<vmem>>
    %dma_wait3A_346 = arith.constant 0 : i32
    %dma_wait3A_347 = tpu.memref_slice %arg13[%dma_wait3A_346] : memref<4096xi32, #tpu.memory_space<vmem>> -> memref<128xi32, #tpu.memory_space<vmem>>
    %dma_wait3A_348 = arith.constant 0 : i32
    %dma_wait3A_349 = tpu.memref_slice %arg5[%dma_wait3A_348] : memref<4128768xf32, #tpu.memory_space<hbm>> -> memref<4128768xf32, #tpu.memory_space<hbm>>
    tpu.wait_indirect_dma semaphore(%arg21 : memref<!tpu.dma_semaphore, #tpu.memory_space<semaphore_mem>>) src(%dma_wait3A_349 : memref<4128768xf32, #tpu.memory_space<hbm>>) dst(%dma_wait3A_345 : memref<128xf32, #tpu.memory_space<vmem>>)
    %dma_wait3A_350 = arith.constant 0 : i32
    %dma_wait3A_351 = arith.constant 0 : i32
    %dma_wait3A_352 = tpu.memref_slice %arg14[%dma_wait3A_350, %dma_wait3A_351] : memref<8x512xf32, #tpu.memory_space<vmem>> -> memref<1x128xf32, #tpu.memory_space<vmem>>
    %dma_wait3A_353 = tpu.memref_squeeze %dma_wait3A_352 : memref<1x128xf32, #tpu.memory_space<vmem>> -> memref<128xf32, #tpu.memory_space<vmem>>
    %dma_wait3A_354 = arith.constant 0 : i32
    %dma_wait3A_355 = tpu.memref_slice %arg13[%dma_wait3A_354] : memref<4096xi32, #tpu.memory_space<vmem>> -> memref<128xi32, #tpu.memory_space<vmem>>
    %dma_wait3A_356 = arith.constant 0 : i32
    %dma_wait3A_357 = tpu.memref_slice %arg5[%dma_wait3A_356] : memref<4128768xf32, #tpu.memory_space<hbm>> -> memref<4128768xf32, #tpu.memory_space<hbm>>
    tpu.wait_indirect_dma semaphore(%arg21 : memref<!tpu.dma_semaphore, #tpu.memory_space<semaphore_mem>>) src(%dma_wait3A_357 : memref<4128768xf32, #tpu.memory_space<hbm>>) dst(%dma_wait3A_353 : memref<128xf32, #tpu.memory_space<vmem>>)
    %dma_wait3A_358 = arith.constant 0 : i32
    %dma_wait3A_359 = arith.constant 0 : i32
    %dma_wait3A_360 = tpu.memref_slice %arg14[%dma_wait3A_358, %dma_wait3A_359] : memref<8x512xf32, #tpu.memory_space<vmem>> -> memref<1x128xf32, #tpu.memory_space<vmem>>
    %dma_wait3A_361 = tpu.memref_squeeze %dma_wait3A_360 : memref<1x128xf32, #tpu.memory_space<vmem>> -> memref<128xf32, #tpu.memory_space<vmem>>
    %dma_wait3A_362 = arith.constant 0 : i32
    %dma_wait3A_363 = tpu.memref_slice %arg13[%dma_wait3A_362] : memref<4096xi32, #tpu.memory_space<vmem>> -> memref<128xi32, #tpu.memory_space<vmem>>
    %dma_wait3A_364 = arith.constant 0 : i32
    %dma_wait3A_365 = tpu.memref_slice %arg5[%dma_wait3A_364] : memref<4128768xf32, #tpu.memory_space<hbm>> -> memref<4128768xf32, #tpu.memory_space<hbm>>
    tpu.wait_indirect_dma semaphore(%arg21 : memref<!tpu.dma_semaphore, #tpu.memory_space<semaphore_mem>>) src(%dma_wait3A_365 : memref<4128768xf32, #tpu.memory_space<hbm>>) dst(%dma_wait3A_361 : memref<128xf32, #tpu.memory_space<vmem>>)
    %dma_wait3A_366 = arith.constant 0 : i32
    %dma_wait3A_367 = arith.constant 0 : i32
    %dma_wait3A_368 = tpu.memref_slice %arg14[%dma_wait3A_366, %dma_wait3A_367] : memref<8x512xf32, #tpu.memory_space<vmem>> -> memref<1x128xf32, #tpu.memory_space<vmem>>
    %dma_wait3A_369 = tpu.memref_squeeze %dma_wait3A_368 : memref<1x128xf32, #tpu.memory_space<vmem>> -> memref<128xf32, #tpu.memory_space<vmem>>
    %dma_wait3A_370 = arith.constant 0 : i32
    %dma_wait3A_371 = tpu.memref_slice %arg13[%dma_wait3A_370] : memref<4096xi32, #tpu.memory_space<vmem>> -> memref<128xi32, #tpu.memory_space<vmem>>
    %dma_wait3A_372 = arith.constant 0 : i32
    %dma_wait3A_373 = tpu.memref_slice %arg5[%dma_wait3A_372] : memref<4128768xf32, #tpu.memory_space<hbm>> -> memref<4128768xf32, #tpu.memory_space<hbm>>
    tpu.wait_indirect_dma semaphore(%arg21 : memref<!tpu.dma_semaphore, #tpu.memory_space<semaphore_mem>>) src(%dma_wait3A_373 : memref<4128768xf32, #tpu.memory_space<hbm>>) dst(%dma_wait3A_369 : memref<128xf32, #tpu.memory_space<vmem>>)
    %dma_wait3A_374 = arith.constant 0 : i32
    %dma_wait3A_375 = arith.constant 0 : i32
    %dma_wait3A_376 = tpu.memref_slice %arg14[%dma_wait3A_374, %dma_wait3A_375] : memref<8x512xf32, #tpu.memory_space<vmem>> -> memref<1x128xf32, #tpu.memory_space<vmem>>
    %dma_wait3A_377 = tpu.memref_squeeze %dma_wait3A_376 : memref<1x128xf32, #tpu.memory_space<vmem>> -> memref<128xf32, #tpu.memory_space<vmem>>
    %dma_wait3A_378 = arith.constant 0 : i32
    %dma_wait3A_379 = tpu.memref_slice %arg13[%dma_wait3A_378] : memref<4096xi32, #tpu.memory_space<vmem>> -> memref<128xi32, #tpu.memory_space<vmem>>
    %dma_wait3A_380 = arith.constant 0 : i32
    %dma_wait3A_381 = tpu.memref_slice %arg5[%dma_wait3A_380] : memref<4128768xf32, #tpu.memory_space<hbm>> -> memref<4128768xf32, #tpu.memory_space<hbm>>
    tpu.wait_indirect_dma semaphore(%arg21 : memref<!tpu.dma_semaphore, #tpu.memory_space<semaphore_mem>>) src(%dma_wait3A_381 : memref<4128768xf32, #tpu.memory_space<hbm>>) dst(%dma_wait3A_377 : memref<128xf32, #tpu.memory_space<vmem>>)
    %dma_wait3A_382 = arith.constant 0 : i32
    %dma_wait3A_383 = arith.constant 0 : i32
    %dma_wait3A_384 = tpu.memref_slice %arg14[%dma_wait3A_382, %dma_wait3A_383] : memref<8x512xf32, #tpu.memory_space<vmem>> -> memref<1x128xf32, #tpu.memory_space<vmem>>
    %dma_wait3A_385 = tpu.memref_squeeze %dma_wait3A_384 : memref<1x128xf32, #tpu.memory_space<vmem>> -> memref<128xf32, #tpu.memory_space<vmem>>
    %dma_wait3A_386 = arith.constant 0 : i32
    %dma_wait3A_387 = tpu.memref_slice %arg13[%dma_wait3A_386] : memref<4096xi32, #tpu.memory_space<vmem>> -> memref<128xi32, #tpu.memory_space<vmem>>
    %dma_wait3A_388 = arith.constant 0 : i32
    %dma_wait3A_389 = tpu.memref_slice %arg5[%dma_wait3A_388] : memref<4128768xf32, #tpu.memory_space<hbm>> -> memref<4128768xf32, #tpu.memory_space<hbm>>
    tpu.wait_indirect_dma semaphore(%arg21 : memref<!tpu.dma_semaphore, #tpu.memory_space<semaphore_mem>>) src(%dma_wait3A_389 : memref<4128768xf32, #tpu.memory_space<hbm>>) dst(%dma_wait3A_385 : memref<128xf32, #tpu.memory_space<vmem>>)
    %dma_wait3A_390 = arith.constant 0 : i32
    %dma_wait3A_391 = arith.constant 0 : i32
    %dma_wait3A_392 = tpu.memref_slice %arg14[%dma_wait3A_390, %dma_wait3A_391] : memref<8x512xf32, #tpu.memory_space<vmem>> -> memref<1x128xf32, #tpu.memory_space<vmem>>
    %dma_wait3A_393 = tpu.memref_squeeze %dma_wait3A_392 : memref<1x128xf32, #tpu.memory_space<vmem>> -> memref<128xf32, #tpu.memory_space<vmem>>
    %dma_wait3A_394 = arith.constant 0 : i32
    %dma_wait3A_395 = tpu.memref_slice %arg13[%dma_wait3A_394] : memref<4096xi32, #tpu.memory_space<vmem>> -> memref<128xi32, #tpu.memory_space<vmem>>
    %dma_wait3A_396 = arith.constant 0 : i32
    %dma_wait3A_397 = tpu.memref_slice %arg5[%dma_wait3A_396] : memref<4128768xf32, #tpu.memory_space<hbm>> -> memref<4128768xf32, #tpu.memory_space<hbm>>
    tpu.wait_indirect_dma semaphore(%arg21 : memref<!tpu.dma_semaphore, #tpu.memory_space<semaphore_mem>>) src(%dma_wait3A_397 : memref<4128768xf32, #tpu.memory_space<hbm>>) dst(%dma_wait3A_393 : memref<128xf32, #tpu.memory_space<vmem>>)
    %dma_wait3A_398 = arith.constant 0 : i32
    %dma_wait3A_399 = arith.constant 0 : i32
    %dma_wait3A_400 = tpu.memref_slice %arg14[%dma_wait3A_398, %dma_wait3A_399] : memref<8x512xf32, #tpu.memory_space<vmem>> -> memref<1x128xf32, #tpu.memory_space<vmem>>
    %dma_wait3A_401 = tpu.memref_squeeze %dma_wait3A_400 : memref<1x128xf32, #tpu.memory_space<vmem>> -> memref<128xf32, #tpu.memory_space<vmem>>
    %dma_wait3A_402 = arith.constant 0 : i32
    %dma_wait3A_403 = tpu.memref_slice %arg13[%dma_wait3A_402] : memref<4096xi32, #tpu.memory_space<vmem>> -> memref<128xi32, #tpu.memory_space<vmem>>
    %dma_wait3A_404 = arith.constant 0 : i32
    %dma_wait3A_405 = tpu.memref_slice %arg5[%dma_wait3A_404] : memref<4128768xf32, #tpu.memory_space<hbm>> -> memref<4128768xf32, #tpu.memory_space<hbm>>
    tpu.wait_indirect_dma semaphore(%arg21 : memref<!tpu.dma_semaphore, #tpu.memory_space<semaphore_mem>>) src(%dma_wait3A_405 : memref<4128768xf32, #tpu.memory_space<hbm>>) dst(%dma_wait3A_401 : memref<128xf32, #tpu.memory_space<vmem>>)
    %dma_wait3A_406 = arith.constant 0 : i32
    %dma_wait3A_407 = arith.constant 0 : i32
    %dma_wait3A_408 = tpu.memref_slice %arg14[%dma_wait3A_406, %dma_wait3A_407] : memref<8x512xf32, #tpu.memory_space<vmem>> -> memref<1x128xf32, #tpu.memory_space<vmem>>
    %dma_wait3A_409 = tpu.memref_squeeze %dma_wait3A_408 : memref<1x128xf32, #tpu.memory_space<vmem>> -> memref<128xf32, #tpu.memory_space<vmem>>
    %dma_wait3A_410 = arith.constant 0 : i32
    %dma_wait3A_411 = tpu.memref_slice %arg13[%dma_wait3A_410] : memref<4096xi32, #tpu.memory_space<vmem>> -> memref<128xi32, #tpu.memory_space<vmem>>
    %dma_wait3A_412 = arith.constant 0 : i32
    %dma_wait3A_413 = tpu.memref_slice %arg5[%dma_wait3A_412] : memref<4128768xf32, #tpu.memory_space<hbm>> -> memref<4128768xf32, #tpu.memory_space<hbm>>
    tpu.wait_indirect_dma semaphore(%arg21 : memref<!tpu.dma_semaphore, #tpu.memory_space<semaphore_mem>>) src(%dma_wait3A_413 : memref<4128768xf32, #tpu.memory_space<hbm>>) dst(%dma_wait3A_409 : memref<128xf32, #tpu.memory_space<vmem>>)
    %dma_wait3A_414 = arith.constant 0 : i32
    %dma_wait3A_415 = arith.constant 0 : i32
    %dma_wait3A_416 = tpu.memref_slice %arg14[%dma_wait3A_414, %dma_wait3A_415] : memref<8x512xf32, #tpu.memory_space<vmem>> -> memref<1x128xf32, #tpu.memory_space<vmem>>
    %dma_wait3A_417 = tpu.memref_squeeze %dma_wait3A_416 : memref<1x128xf32, #tpu.memory_space<vmem>> -> memref<128xf32, #tpu.memory_space<vmem>>
    %dma_wait3A_418 = arith.constant 0 : i32
    %dma_wait3A_419 = tpu.memref_slice %arg13[%dma_wait3A_418] : memref<4096xi32, #tpu.memory_space<vmem>> -> memref<128xi32, #tpu.memory_space<vmem>>
    %dma_wait3A_420 = arith.constant 0 : i32
    %dma_wait3A_421 = tpu.memref_slice %arg5[%dma_wait3A_420] : memref<4128768xf32, #tpu.memory_space<hbm>> -> memref<4128768xf32, #tpu.memory_space<hbm>>
    tpu.wait_indirect_dma semaphore(%arg21 : memref<!tpu.dma_semaphore, #tpu.memory_space<semaphore_mem>>) src(%dma_wait3A_421 : memref<4128768xf32, #tpu.memory_space<hbm>>) dst(%dma_wait3A_417 : memref<128xf32, #tpu.memory_space<vmem>>)
    %dma_wait3A_422 = arith.constant 0 : i32
    %dma_wait3A_423 = arith.constant 0 : i32
    %dma_wait3A_424 = tpu.memref_slice %arg14[%dma_wait3A_422, %dma_wait3A_423] : memref<8x512xf32, #tpu.memory_space<vmem>> -> memref<1x128xf32, #tpu.memory_space<vmem>>
    %dma_wait3A_425 = tpu.memref_squeeze %dma_wait3A_424 : memref<1x128xf32, #tpu.memory_space<vmem>> -> memref<128xf32, #tpu.memory_space<vmem>>
    %dma_wait3A_426 = arith.constant 0 : i32
    %dma_wait3A_427 = tpu.memref_slice %arg13[%dma_wait3A_426] : memref<4096xi32, #tpu.memory_space<vmem>> -> memref<128xi32, #tpu.memory_space<vmem>>
    %dma_wait3A_428 = arith.constant 0 : i32
    %dma_wait3A_429 = tpu.memref_slice %arg5[%dma_wait3A_428] : memref<4128768xf32, #tpu.memory_space<hbm>> -> memref<4128768xf32, #tpu.memory_space<hbm>>
    tpu.wait_indirect_dma semaphore(%arg21 : memref<!tpu.dma_semaphore, #tpu.memory_space<semaphore_mem>>) src(%dma_wait3A_429 : memref<4128768xf32, #tpu.memory_space<hbm>>) dst(%dma_wait3A_425 : memref<128xf32, #tpu.memory_space<vmem>>)
    %dma_wait3A_430 = arith.constant 0 : i32
    %dma_wait3A_431 = arith.constant 0 : i32
    %dma_wait3A_432 = tpu.memref_slice %arg14[%dma_wait3A_430, %dma_wait3A_431] : memref<8x512xf32, #tpu.memory_space<vmem>> -> memref<1x128xf32, #tpu.memory_space<vmem>>
    %dma_wait3A_433 = tpu.memref_squeeze %dma_wait3A_432 : memref<1x128xf32, #tpu.memory_space<vmem>> -> memref<128xf32, #tpu.memory_space<vmem>>
    %dma_wait3A_434 = arith.constant 0 : i32
    %dma_wait3A_435 = tpu.memref_slice %arg13[%dma_wait3A_434] : memref<4096xi32, #tpu.memory_space<vmem>> -> memref<128xi32, #tpu.memory_space<vmem>>
    %dma_wait3A_436 = arith.constant 0 : i32
    %dma_wait3A_437 = tpu.memref_slice %arg5[%dma_wait3A_436] : memref<4128768xf32, #tpu.memory_space<hbm>> -> memref<4128768xf32, #tpu.memory_space<hbm>>
    tpu.wait_indirect_dma semaphore(%arg21 : memref<!tpu.dma_semaphore, #tpu.memory_space<semaphore_mem>>) src(%dma_wait3A_437 : memref<4128768xf32, #tpu.memory_space<hbm>>) dst(%dma_wait3A_433 : memref<128xf32, #tpu.memory_space<vmem>>)
    %dma_wait3A_438 = arith.constant 0 : i32
    %dma_wait3A_439 = arith.constant 0 : i32
    %dma_wait3A_440 = tpu.memref_slice %arg14[%dma_wait3A_438, %dma_wait3A_439] : memref<8x512xf32, #tpu.memory_space<vmem>> -> memref<1x128xf32, #tpu.memory_space<vmem>>
    %dma_wait3A_441 = tpu.memref_squeeze %dma_wait3A_440 : memref<1x128xf32, #tpu.memory_space<vmem>> -> memref<128xf32, #tpu.memory_space<vmem>>
    %dma_wait3A_442 = arith.constant 0 : i32
    %dma_wait3A_443 = tpu.memref_slice %arg13[%dma_wait3A_442] : memref<4096xi32, #tpu.memory_space<vmem>> -> memref<128xi32, #tpu.memory_space<vmem>>
    %dma_wait3A_444 = arith.constant 0 : i32
    %dma_wait3A_445 = tpu.memref_slice %arg5[%dma_wait3A_444] : memref<4128768xf32, #tpu.memory_space<hbm>> -> memref<4128768xf32, #tpu.memory_space<hbm>>
    tpu.wait_indirect_dma semaphore(%arg21 : memref<!tpu.dma_semaphore, #tpu.memory_space<semaphore_mem>>) src(%dma_wait3A_445 : memref<4128768xf32, #tpu.memory_space<hbm>>) dst(%dma_wait3A_441 : memref<128xf32, #tpu.memory_space<vmem>>)
    %dma_wait3A_446 = arith.constant 0 : i32
    %dma_wait3A_447 = arith.constant 0 : i32
    %dma_wait3A_448 = tpu.memref_slice %arg14[%dma_wait3A_446, %dma_wait3A_447] : memref<8x512xf32, #tpu.memory_space<vmem>> -> memref<1x128xf32, #tpu.memory_space<vmem>>
    %dma_wait3A_449 = tpu.memref_squeeze %dma_wait3A_448 : memref<1x128xf32, #tpu.memory_space<vmem>> -> memref<128xf32, #tpu.memory_space<vmem>>
    %dma_wait3A_450 = arith.constant 0 : i32
    %dma_wait3A_451 = tpu.memref_slice %arg13[%dma_wait3A_450] : memref<4096xi32, #tpu.memory_space<vmem>> -> memref<128xi32, #tpu.memory_space<vmem>>
    %dma_wait3A_452 = arith.constant 0 : i32
    %dma_wait3A_453 = tpu.memref_slice %arg5[%dma_wait3A_452] : memref<4128768xf32, #tpu.memory_space<hbm>> -> memref<4128768xf32, #tpu.memory_space<hbm>>
    tpu.wait_indirect_dma semaphore(%arg21 : memref<!tpu.dma_semaphore, #tpu.memory_space<semaphore_mem>>) src(%dma_wait3A_453 : memref<4128768xf32, #tpu.memory_space<hbm>>) dst(%dma_wait3A_449 : memref<128xf32, #tpu.memory_space<vmem>>)
    %dma_wait3A_454 = arith.constant 0 : i32
    %dma_wait3A_455 = arith.constant 0 : i32
    %dma_wait3A_456 = tpu.memref_slice %arg14[%dma_wait3A_454, %dma_wait3A_455] : memref<8x512xf32, #tpu.memory_space<vmem>> -> memref<1x128xf32, #tpu.memory_space<vmem>>
    %dma_wait3A_457 = tpu.memref_squeeze %dma_wait3A_456 : memref<1x128xf32, #tpu.memory_space<vmem>> -> memref<128xf32, #tpu.memory_space<vmem>>
    %dma_wait3A_458 = arith.constant 0 : i32
    %dma_wait3A_459 = tpu.memref_slice %arg13[%dma_wait3A_458] : memref<4096xi32, #tpu.memory_space<vmem>> -> memref<128xi32, #tpu.memory_space<vmem>>
    %dma_wait3A_460 = arith.constant 0 : i32
    %dma_wait3A_461 = tpu.memref_slice %arg5[%dma_wait3A_460] : memref<4128768xf32, #tpu.memory_space<hbm>> -> memref<4128768xf32, #tpu.memory_space<hbm>>
    tpu.wait_indirect_dma semaphore(%arg21 : memref<!tpu.dma_semaphore, #tpu.memory_space<semaphore_mem>>) src(%dma_wait3A_461 : memref<4128768xf32, #tpu.memory_space<hbm>>) dst(%dma_wait3A_457 : memref<128xf32, #tpu.memory_space<vmem>>)
    %dma_wait3A_462 = arith.constant 0 : i32
    %dma_wait3A_463 = arith.constant 0 : i32
    %dma_wait3A_464 = tpu.memref_slice %arg14[%dma_wait3A_462, %dma_wait3A_463] : memref<8x512xf32, #tpu.memory_space<vmem>> -> memref<1x128xf32, #tpu.memory_space<vmem>>
    %dma_wait3A_465 = tpu.memref_squeeze %dma_wait3A_464 : memref<1x128xf32, #tpu.memory_space<vmem>> -> memref<128xf32, #tpu.memory_space<vmem>>
    %dma_wait3A_466 = arith.constant 0 : i32
    %dma_wait3A_467 = tpu.memref_slice %arg13[%dma_wait3A_466] : memref<4096xi32, #tpu.memory_space<vmem>> -> memref<128xi32, #tpu.memory_space<vmem>>
    %dma_wait3A_468 = arith.constant 0 : i32
    %dma_wait3A_469 = tpu.memref_slice %arg5[%dma_wait3A_468] : memref<4128768xf32, #tpu.memory_space<hbm>> -> memref<4128768xf32, #tpu.memory_space<hbm>>
    tpu.wait_indirect_dma semaphore(%arg21 : memref<!tpu.dma_semaphore, #tpu.memory_space<semaphore_mem>>) src(%dma_wait3A_469 : memref<4128768xf32, #tpu.memory_space<hbm>>) dst(%dma_wait3A_465 : memref<128xf32, #tpu.memory_space<vmem>>)
    %dma_wait3A_470 = arith.constant 0 : i32
    %dma_wait3A_471 = arith.constant 0 : i32
    %dma_wait3A_472 = tpu.memref_slice %arg14[%dma_wait3A_470, %dma_wait3A_471] : memref<8x512xf32, #tpu.memory_space<vmem>> -> memref<1x128xf32, #tpu.memory_space<vmem>>
    %dma_wait3A_473 = tpu.memref_squeeze %dma_wait3A_472 : memref<1x128xf32, #tpu.memory_space<vmem>> -> memref<128xf32, #tpu.memory_space<vmem>>
    %dma_wait3A_474 = arith.constant 0 : i32
    %dma_wait3A_475 = tpu.memref_slice %arg13[%dma_wait3A_474] : memref<4096xi32, #tpu.memory_space<vmem>> -> memref<128xi32, #tpu.memory_space<vmem>>
    %dma_wait3A_476 = arith.constant 0 : i32
    %dma_wait3A_477 = tpu.memref_slice %arg5[%dma_wait3A_476] : memref<4128768xf32, #tpu.memory_space<hbm>> -> memref<4128768xf32, #tpu.memory_space<hbm>>
    tpu.wait_indirect_dma semaphore(%arg21 : memref<!tpu.dma_semaphore, #tpu.memory_space<semaphore_mem>>) src(%dma_wait3A_477 : memref<4128768xf32, #tpu.memory_space<hbm>>) dst(%dma_wait3A_473 : memref<128xf32, #tpu.memory_space<vmem>>)
    %dma_wait3A_478 = arith.constant 0 : i32
    %dma_wait3A_479 = arith.constant 0 : i32
    %dma_wait3A_480 = tpu.memref_slice %arg14[%dma_wait3A_478, %dma_wait3A_479] : memref<8x512xf32, #tpu.memory_space<vmem>> -> memref<1x128xf32, #tpu.memory_space<vmem>>
    %dma_wait3A_481 = tpu.memref_squeeze %dma_wait3A_480 : memref<1x128xf32, #tpu.memory_space<vmem>> -> memref<128xf32, #tpu.memory_space<vmem>>
    %dma_wait3A_482 = arith.constant 0 : i32
    %dma_wait3A_483 = tpu.memref_slice %arg13[%dma_wait3A_482] : memref<4096xi32, #tpu.memory_space<vmem>> -> memref<128xi32, #tpu.memory_space<vmem>>
    %dma_wait3A_484 = arith.constant 0 : i32
    %dma_wait3A_485 = tpu.memref_slice %arg5[%dma_wait3A_484] : memref<4128768xf32, #tpu.memory_space<hbm>> -> memref<4128768xf32, #tpu.memory_space<hbm>>
    tpu.wait_indirect_dma semaphore(%arg21 : memref<!tpu.dma_semaphore, #tpu.memory_space<semaphore_mem>>) src(%dma_wait3A_485 : memref<4128768xf32, #tpu.memory_space<hbm>>) dst(%dma_wait3A_481 : memref<128xf32, #tpu.memory_space<vmem>>)
    %dma_wait3A_486 = arith.constant 0 : i32
    %dma_wait3A_487 = arith.constant 0 : i32
    %dma_wait3A_488 = tpu.memref_slice %arg14[%dma_wait3A_486, %dma_wait3A_487] : memref<8x512xf32, #tpu.memory_space<vmem>> -> memref<1x128xf32, #tpu.memory_space<vmem>>
    %dma_wait3A_489 = tpu.memref_squeeze %dma_wait3A_488 : memref<1x128xf32, #tpu.memory_space<vmem>> -> memref<128xf32, #tpu.memory_space<vmem>>
    %dma_wait3A_490 = arith.constant 0 : i32
    %dma_wait3A_491 = tpu.memref_slice %arg13[%dma_wait3A_490] : memref<4096xi32, #tpu.memory_space<vmem>> -> memref<128xi32, #tpu.memory_space<vmem>>
    %dma_wait3A_492 = arith.constant 0 : i32
    %dma_wait3A_493 = tpu.memref_slice %arg5[%dma_wait3A_492] : memref<4128768xf32, #tpu.memory_space<hbm>> -> memref<4128768xf32, #tpu.memory_space<hbm>>
    tpu.wait_indirect_dma semaphore(%arg21 : memref<!tpu.dma_semaphore, #tpu.memory_space<semaphore_mem>>) src(%dma_wait3A_493 : memref<4128768xf32, #tpu.memory_space<hbm>>) dst(%dma_wait3A_489 : memref<128xf32, #tpu.memory_space<vmem>>)
    %dma_wait3A_494 = arith.constant 0 : i32
    %dma_wait3A_495 = arith.constant 0 : i32
    %dma_wait3A_496 = tpu.memref_slice %arg14[%dma_wait3A_494, %dma_wait3A_495] : memref<8x512xf32, #tpu.memory_space<vmem>> -> memref<1x128xf32, #tpu.memory_space<vmem>>
    %dma_wait3A_497 = tpu.memref_squeeze %dma_wait3A_496 : memref<1x128xf32, #tpu.memory_space<vmem>> -> memref<128xf32, #tpu.memory_space<vmem>>
    %dma_wait3A_498 = arith.constant 0 : i32
    %dma_wait3A_499 = tpu.memref_slice %arg13[%dma_wait3A_498] : memref<4096xi32, #tpu.memory_space<vmem>> -> memref<128xi32, #tpu.memory_space<vmem>>
    %dma_wait3A_500 = arith.constant 0 : i32
    %dma_wait3A_501 = tpu.memref_slice %arg5[%dma_wait3A_500] : memref<4128768xf32, #tpu.memory_space<hbm>> -> memref<4128768xf32, #tpu.memory_space<hbm>>
    tpu.wait_indirect_dma semaphore(%arg21 : memref<!tpu.dma_semaphore, #tpu.memory_space<semaphore_mem>>) src(%dma_wait3A_501 : memref<4128768xf32, #tpu.memory_space<hbm>>) dst(%dma_wait3A_497 : memref<128xf32, #tpu.memory_space<vmem>>)
    %dma_wait3A_502 = arith.constant 0 : i32
    %dma_wait3A_503 = arith.constant 0 : i32
    %dma_wait3A_504 = tpu.memref_slice %arg14[%dma_wait3A_502, %dma_wait3A_503] : memref<8x512xf32, #tpu.memory_space<vmem>> -> memref<1x128xf32, #tpu.memory_space<vmem>>
    %dma_wait3A_505 = tpu.memref_squeeze %dma_wait3A_504 : memref<1x128xf32, #tpu.memory_space<vmem>> -> memref<128xf32, #tpu.memory_space<vmem>>
    %dma_wait3A_506 = arith.constant 0 : i32
    %dma_wait3A_507 = tpu.memref_slice %arg13[%dma_wait3A_506] : memref<4096xi32, #tpu.memory_space<vmem>> -> memref<128xi32, #tpu.memory_space<vmem>>
    %dma_wait3A_508 = arith.constant 0 : i32
    %dma_wait3A_509 = tpu.memref_slice %arg5[%dma_wait3A_508] : memref<4128768xf32, #tpu.memory_space<hbm>> -> memref<4128768xf32, #tpu.memory_space<hbm>>
    tpu.wait_indirect_dma semaphore(%arg21 : memref<!tpu.dma_semaphore, #tpu.memory_space<semaphore_mem>>) src(%dma_wait3A_509 : memref<4128768xf32, #tpu.memory_space<hbm>>) dst(%dma_wait3A_505 : memref<128xf32, #tpu.memory_space<vmem>>)
    %dma_wait3A_510 = arith.constant 0 : i32
    %dma_wait3A_511 = arith.constant 0 : i32
    %dma_wait3A_512 = tpu.memref_slice %arg14[%dma_wait3A_510, %dma_wait3A_511] : memref<8x512xf32, #tpu.memory_space<vmem>> -> memref<1x128xf32, #tpu.memory_space<vmem>>
    %dma_wait3A_513 = tpu.memref_squeeze %dma_wait3A_512 : memref<1x128xf32, #tpu.memory_space<vmem>> -> memref<128xf32, #tpu.memory_space<vmem>>
    %dma_wait3A_514 = arith.constant 0 : i32
    %dma_wait3A_515 = tpu.memref_slice %arg13[%dma_wait3A_514] : memref<4096xi32, #tpu.memory_space<vmem>> -> memref<128xi32, #tpu.memory_space<vmem>>
    %dma_wait3A_516 = arith.constant 0 : i32
    %dma_wait3A_517 = tpu.memref_slice %arg5[%dma_wait3A_516] : memref<4128768xf32, #tpu.memory_space<hbm>> -> memref<4128768xf32, #tpu.memory_space<hbm>>
    tpu.wait_indirect_dma semaphore(%arg21 : memref<!tpu.dma_semaphore, #tpu.memory_space<semaphore_mem>>) src(%dma_wait3A_517 : memref<4128768xf32, #tpu.memory_space<hbm>>) dst(%dma_wait3A_513 : memref<128xf32, #tpu.memory_space<vmem>>)
    %dma_wait3A_518 = arith.constant 0 : i32
    %dma_wait3A_519 = arith.constant 0 : i32
    %dma_wait3A_520 = tpu.memref_slice %arg14[%dma_wait3A_518, %dma_wait3A_519] : memref<8x512xf32, #tpu.memory_space<vmem>> -> memref<1x128xf32, #tpu.memory_space<vmem>>
    %dma_wait3A_521 = tpu.memref_squeeze %dma_wait3A_520 : memref<1x128xf32, #tpu.memory_space<vmem>> -> memref<128xf32, #tpu.memory_space<vmem>>
    %dma_wait3A_522 = arith.constant 0 : i32
    %dma_wait3A_523 = tpu.memref_slice %arg13[%dma_wait3A_522] : memref<4096xi32, #tpu.memory_space<vmem>> -> memref<128xi32, #tpu.memory_space<vmem>>
    %dma_wait3A_524 = arith.constant 0 : i32
    %dma_wait3A_525 = tpu.memref_slice %arg5[%dma_wait3A_524] : memref<4128768xf32, #tpu.memory_space<hbm>> -> memref<4128768xf32, #tpu.memory_space<hbm>>
    tpu.wait_indirect_dma semaphore(%arg21 : memref<!tpu.dma_semaphore, #tpu.memory_space<semaphore_mem>>) src(%dma_wait3A_525 : memref<4128768xf32, #tpu.memory_space<hbm>>) dst(%dma_wait3A_521 : memref<128xf32, #tpu.memory_space<vmem>>)
    %dma_wait3A_526 = arith.constant 0 : i32
    %dma_wait3A_527 = arith.constant 0 : i32
    %dma_wait3A_528 = tpu.memref_slice %arg14[%dma_wait3A_526, %dma_wait3A_527] : memref<8x512xf32, #tpu.memory_space<vmem>> -> memref<1x128xf32, #tpu.memory_space<vmem>>
    %dma_wait3A_529 = tpu.memref_squeeze %dma_wait3A_528 : memref<1x128xf32, #tpu.memory_space<vmem>> -> memref<128xf32, #tpu.memory_space<vmem>>
    %dma_wait3A_530 = arith.constant 0 : i32
    %dma_wait3A_531 = tpu.memref_slice %arg13[%dma_wait3A_530] : memref<4096xi32, #tpu.memory_space<vmem>> -> memref<128xi32, #tpu.memory_space<vmem>>
    %dma_wait3A_532 = arith.constant 0 : i32
    %dma_wait3A_533 = tpu.memref_slice %arg5[%dma_wait3A_532] : memref<4128768xf32, #tpu.memory_space<hbm>> -> memref<4128768xf32, #tpu.memory_space<hbm>>
    tpu.wait_indirect_dma semaphore(%arg21 : memref<!tpu.dma_semaphore, #tpu.memory_space<semaphore_mem>>) src(%dma_wait3A_533 : memref<4128768xf32, #tpu.memory_space<hbm>>) dst(%dma_wait3A_529 : memref<128xf32, #tpu.memory_space<vmem>>)
    %dma_wait3A_534 = arith.constant 0 : i32
    %dma_wait3A_535 = arith.constant 0 : i32
    %dma_wait3A_536 = tpu.memref_slice %arg14[%dma_wait3A_534, %dma_wait3A_535] : memref<8x512xf32, #tpu.memory_space<vmem>> -> memref<1x128xf32, #tpu.memory_space<vmem>>
    %dma_wait3A_537 = tpu.memref_squeeze %dma_wait3A_536 : memref<1x128xf32, #tpu.memory_space<vmem>> -> memref<128xf32, #tpu.memory_space<vmem>>
    %dma_wait3A_538 = arith.constant 0 : i32
    %dma_wait3A_539 = tpu.memref_slice %arg13[%dma_wait3A_538] : memref<4096xi32, #tpu.memory_space<vmem>> -> memref<128xi32, #tpu.memory_space<vmem>>
    %dma_wait3A_540 = arith.constant 0 : i32
    %dma_wait3A_541 = tpu.memref_slice %arg5[%dma_wait3A_540] : memref<4128768xf32, #tpu.memory_space<hbm>> -> memref<4128768xf32, #tpu.memory_space<hbm>>
    tpu.wait_indirect_dma semaphore(%arg21 : memref<!tpu.dma_semaphore, #tpu.memory_space<semaphore_mem>>) src(%dma_wait3A_541 : memref<4128768xf32, #tpu.memory_space<hbm>>) dst(%dma_wait3A_537 : memref<128xf32, #tpu.memory_space<vmem>>)
    %dma_wait3A_542 = arith.constant 0 : i32
    %dma_wait3A_543 = arith.constant 0 : i32
    %dma_wait3A_544 = tpu.memref_slice %arg14[%dma_wait3A_542, %dma_wait3A_543] : memref<8x512xf32, #tpu.memory_space<vmem>> -> memref<1x128xf32, #tpu.memory_space<vmem>>
    %dma_wait3A_545 = tpu.memref_squeeze %dma_wait3A_544 : memref<1x128xf32, #tpu.memory_space<vmem>> -> memref<128xf32, #tpu.memory_space<vmem>>
    %dma_wait3A_546 = arith.constant 0 : i32
    %dma_wait3A_547 = tpu.memref_slice %arg13[%dma_wait3A_546] : memref<4096xi32, #tpu.memory_space<vmem>> -> memref<128xi32, #tpu.memory_space<vmem>>
    %dma_wait3A_548 = arith.constant 0 : i32
    %dma_wait3A_549 = tpu.memref_slice %arg5[%dma_wait3A_548] : memref<4128768xf32, #tpu.memory_space<hbm>> -> memref<4128768xf32, #tpu.memory_space<hbm>>
    tpu.wait_indirect_dma semaphore(%arg21 : memref<!tpu.dma_semaphore, #tpu.memory_space<semaphore_mem>>) src(%dma_wait3A_549 : memref<4128768xf32, #tpu.memory_space<hbm>>) dst(%dma_wait3A_545 : memref<128xf32, #tpu.memory_space<vmem>>)
    %dma_wait3A_550 = arith.constant 0 : i32
    %dma_wait3A_551 = arith.constant 0 : i32
    %dma_wait3A_552 = tpu.memref_slice %arg14[%dma_wait3A_550, %dma_wait3A_551] : memref<8x512xf32, #tpu.memory_space<vmem>> -> memref<1x128xf32, #tpu.memory_space<vmem>>
    %dma_wait3A_553 = tpu.memref_squeeze %dma_wait3A_552 : memref<1x128xf32, #tpu.memory_space<vmem>> -> memref<128xf32, #tpu.memory_space<vmem>>
    %dma_wait3A_554 = arith.constant 0 : i32
    %dma_wait3A_555 = tpu.memref_slice %arg13[%dma_wait3A_554] : memref<4096xi32, #tpu.memory_space<vmem>> -> memref<128xi32, #tpu.memory_space<vmem>>
    %dma_wait3A_556 = arith.constant 0 : i32
    %dma_wait3A_557 = tpu.memref_slice %arg5[%dma_wait3A_556] : memref<4128768xf32, #tpu.memory_space<hbm>> -> memref<4128768xf32, #tpu.memory_space<hbm>>
    tpu.wait_indirect_dma semaphore(%arg21 : memref<!tpu.dma_semaphore, #tpu.memory_space<semaphore_mem>>) src(%dma_wait3A_557 : memref<4128768xf32, #tpu.memory_space<hbm>>) dst(%dma_wait3A_553 : memref<128xf32, #tpu.memory_space<vmem>>)
    %dma_wait3A_558 = arith.constant 0 : i32
    %dma_wait3A_559 = arith.constant 0 : i32
    %dma_wait3A_560 = tpu.memref_slice %arg14[%dma_wait3A_558, %dma_wait3A_559] : memref<8x512xf32, #tpu.memory_space<vmem>> -> memref<1x128xf32, #tpu.memory_space<vmem>>
    %dma_wait3A_561 = tpu.memref_squeeze %dma_wait3A_560 : memref<1x128xf32, #tpu.memory_space<vmem>> -> memref<128xf32, #tpu.memory_space<vmem>>
    %dma_wait3A_562 = arith.constant 0 : i32
    %dma_wait3A_563 = tpu.memref_slice %arg13[%dma_wait3A_562] : memref<4096xi32, #tpu.memory_space<vmem>> -> memref<128xi32, #tpu.memory_space<vmem>>
    %dma_wait3A_564 = arith.constant 0 : i32
    %dma_wait3A_565 = tpu.memref_slice %arg5[%dma_wait3A_564] : memref<4128768xf32, #tpu.memory_space<hbm>> -> memref<4128768xf32, #tpu.memory_space<hbm>>
    tpu.wait_indirect_dma semaphore(%arg21 : memref<!tpu.dma_semaphore, #tpu.memory_space<semaphore_mem>>) src(%dma_wait3A_565 : memref<4128768xf32, #tpu.memory_space<hbm>>) dst(%dma_wait3A_561 : memref<128xf32, #tpu.memory_space<vmem>>)
    %dma_wait3A_566 = arith.constant 0 : i32
    %dma_wait3A_567 = arith.constant 0 : i32
    %dma_wait3A_568 = tpu.memref_slice %arg14[%dma_wait3A_566, %dma_wait3A_567] : memref<8x512xf32, #tpu.memory_space<vmem>> -> memref<1x128xf32, #tpu.memory_space<vmem>>
    %dma_wait3A_569 = tpu.memref_squeeze %dma_wait3A_568 : memref<1x128xf32, #tpu.memory_space<vmem>> -> memref<128xf32, #tpu.memory_space<vmem>>
    %dma_wait3A_570 = arith.constant 0 : i32
    %dma_wait3A_571 = tpu.memref_slice %arg13[%dma_wait3A_570] : memref<4096xi32, #tpu.memory_space<vmem>> -> memref<128xi32, #tpu.memory_space<vmem>>
    %dma_wait3A_572 = arith.constant 0 : i32
    %dma_wait3A_573 = tpu.memref_slice %arg5[%dma_wait3A_572] : memref<4128768xf32, #tpu.memory_space<hbm>> -> memref<4128768xf32, #tpu.memory_space<hbm>>
    tpu.wait_indirect_dma semaphore(%arg21 : memref<!tpu.dma_semaphore, #tpu.memory_space<semaphore_mem>>) src(%dma_wait3A_573 : memref<4128768xf32, #tpu.memory_space<hbm>>) dst(%dma_wait3A_569 : memref<128xf32, #tpu.memory_space<vmem>>)
    %dma_wait3A_574 = arith.constant 0 : i32
    %dma_wait3A_575 = arith.constant 0 : i32
    %dma_wait3A_576 = tpu.memref_slice %arg14[%dma_wait3A_574, %dma_wait3A_575] : memref<8x512xf32, #tpu.memory_space<vmem>> -> memref<1x128xf32, #tpu.memory_space<vmem>>
    %dma_wait3A_577 = tpu.memref_squeeze %dma_wait3A_576 : memref<1x128xf32, #tpu.memory_space<vmem>> -> memref<128xf32, #tpu.memory_space<vmem>>
    %dma_wait3A_578 = arith.constant 0 : i32
    %dma_wait3A_579 = tpu.memref_slice %arg13[%dma_wait3A_578] : memref<4096xi32, #tpu.memory_space<vmem>> -> memref<128xi32, #tpu.memory_space<vmem>>
    %dma_wait3A_580 = arith.constant 0 : i32
    %dma_wait3A_581 = tpu.memref_slice %arg5[%dma_wait3A_580] : memref<4128768xf32, #tpu.memory_space<hbm>> -> memref<4128768xf32, #tpu.memory_space<hbm>>
    tpu.wait_indirect_dma semaphore(%arg21 : memref<!tpu.dma_semaphore, #tpu.memory_space<semaphore_mem>>) src(%dma_wait3A_581 : memref<4128768xf32, #tpu.memory_space<hbm>>) dst(%dma_wait3A_577 : memref<128xf32, #tpu.memory_space<vmem>>)
    "tpu.region"() ({
      %run_scoped3A = tpu.sem_alloc : memref<!tpu.dma_semaphore, #tpu.memory_space<semaphore_mem>>
      %dma_start3A_582 = arith.constant 0 : i32
      %dma_start3A_583 = tpu.memref_slice %arg7[%mul3A_2, %dma_start3A_582] : memref<256x512xf32, #tpu.memory_space<hbm>> -> memref<8x512xf32, #tpu.memory_space<hbm>>
      %dma_start3A_584 = arith.constant 0 : i32
      %dma_start3A_585 = tpu.memref_slice %arg7[%mul3A_2, %dma_start3A_584] : memref<256x512xf32, #tpu.memory_space<hbm>> -> memref<8x512xf32, #tpu.memory_space<hbm>>
      tpu.enqueue_dma source(%arg14 : memref<8x512xf32, #tpu.memory_space<vmem>>) target(%dma_start3A_585 : memref<8x512xf32, #tpu.memory_space<hbm>>) target_semaphore(%run_scoped3A : memref<!tpu.dma_semaphore, #tpu.memory_space<semaphore_mem>>)
      %dma_wait3A_586 = arith.constant 0 : i32
      %dma_wait3A_587 = tpu.memref_slice %arg7[%mul3A_2, %dma_wait3A_586] : memref<256x512xf32, #tpu.memory_space<hbm>> -> memref<8x512xf32, #tpu.memory_space<hbm>>
      %dma_wait3A_588 = arith.constant 0 : i32
      %dma_wait3A_589 = tpu.memref_slice %arg7[%mul3A_2, %dma_wait3A_588] : memref<256x512xf32, #tpu.memory_space<hbm>> -> memref<8x512xf32, #tpu.memory_space<hbm>>
      tpu.wait_dma2 semaphore(%run_scoped3A : memref<!tpu.dma_semaphore, #tpu.memory_space<semaphore_mem>>) src(%arg14 : memref<8x512xf32, #tpu.memory_space<vmem>>) dst(%dma_wait3A_589 : memref<8x512xf32, #tpu.memory_space<hbm>>)
      tpu.yield
    }) : () -> ()
    return
  }
}

module attributes {stable_mosaic.version = 14 : i64} {
  func.func @_tc_bank1_body(%arg0: i32, %arg1: memref<256x512xf32, #tpu.memory_space<vmem>>, %arg2: memref<2304x512xf32, #tpu.memory_space<vmem>>, %arg3: memref<256x2304xf32, #tpu.memory_space<vmem>>) attributes {dimension_semantics = [#tpu.dimension_semantics<arbitrary>], iteration_bounds = array<i64: 7>, scalar_prefetch = 0 : i64, scratch_operands = 0 : i64, tpu.core_type = #tpu.core_type<tc>, window_params = [{pipeline_mode = #tpu.pipeline_mode<synchronous>, transform_indices = @transform_0, window_bounds = array<i64: 256, 512>}, {transform_indices = @transform_1, window_bounds = array<i64: 2304, 512>}, {transform_indices = @transform_2, window_bounds = array<i64: 256, 2304>}]} {
    %get3A = arith.constant 0 : index
    %get3A_0 = arith.constant 0 : index
    %get3A_1 = vector.load %arg1[%get3A, %get3A_0] : memref<256x512xf32, #tpu.memory_space<vmem>>, vector<256x512xf32>
    %get3A_2 = arith.constant 0 : index
    %get3A_3 = arith.constant 0 : index
    %get3A_4 = vector.load %arg2[%get3A_2, %get3A_3] : memref<2304x512xf32, #tpu.memory_space<vmem>>, vector<2304x512xf32>
    %dot_general3A = arith.constant dense<0.000000e+00> : vector<256x2304xf32>
    %dot_general3A_5 = tpu.matmul %get3A_1, %get3A_4, %dot_general3A {dimension_numbers = #tpu.dot_dimension_numbers<[1], [1], [0], [0], [0, 0, 1, 0], [], []>, transpose_lhs_hint = false} : vector<256x512xf32>, vector<2304x512xf32>, vector<256x2304xf32> -> vector<256x2304xf32>
    %swap3A = arith.constant 0 : index
    %swap3A_6 = arith.constant 0 : index
    %swap3A_7 = vector.load %arg3[%swap3A, %swap3A_6] : memref<256x2304xf32, #tpu.memory_space<vmem>>, vector<256x2304xf32>
    tpu.vector_store %arg3[%swap3A, %swap3A_6], %dot_general3A_5 {strides = array<i32>} : memref<256x2304xf32, #tpu.memory_space<vmem>>, vector<256x2304xf32>,
    return
  }
  func.func @transform_0(%arg0: i32) -> (i32, i32) {
    %c0_i32 = arith.constant 0 : i32
    %c0_i32_0 = arith.constant 0 : i32
    %c0_i32_1 = arith.constant 0 : i32
    return %c0_i32, %c0_i32_0 : i32, i32
  }
  func.func @transform_1(%arg0: i32) -> (i32, i32) {
    %c0_i32 = arith.constant 0 : i32
    %c0_i32_0 = arith.constant 0 : i32
    return %arg0, %c0_i32 : i32, i32
  }
  func.func @transform_2(%arg0: i32) -> (i32, i32) {
    %c0_i32 = arith.constant 0 : i32
    %c0_i32_0 = arith.constant 0 : i32
    return %c0_i32, %arg0 : i32, i32
  }
}

module attributes {stable_mosaic.version = 14 : i64} {
  func.func @_tc_loss_body(%arg0: i32, %arg1: memref<8192x512xf32, #tpu.memory_space<vmem>>, %arg2: memref<256x512xf32, #tpu.memory_space<vmem>>, %arg3: memref<128x512xf32, #tpu.memory_space<vmem>>, %arg4: memref<128x512xf32, #tpu.memory_space<vmem>>, %arg5: memref<1x1xf32, #tpu.memory_space<smem>>) attributes {dimension_semantics = [#tpu.dimension_semantics<arbitrary>], iteration_bounds = array<i64: 8>, scalar_prefetch = 0 : i64, scratch_operands = 0 : i64, tpu.core_type = #tpu.core_type<tc>, window_params = [{transform_indices = @transform_0, window_bounds = array<i64: 8192, 512>}, {pipeline_mode = #tpu.pipeline_mode<synchronous>, transform_indices = @transform_1, window_bounds = array<i64: 256, 512>}, {pipeline_mode = #tpu.pipeline_mode<synchronous>, transform_indices = @transform_2, window_bounds = array<i64: 128, 512>}, {pipeline_mode = #tpu.pipeline_mode<synchronous>, transform_indices = @transform_3, window_bounds = array<i64: 128, 512>}, {transform_indices = @transform_4, window_bounds = array<i64: 1, 1>}]} {
    %mul3A = arith.constant 16 : i32
    %mul3A_0 = arith.muli %arg0, %mul3A : i32
    %get3A = arith.index_cast %mul3A_0 : i32 to index
    %get3A_1 = arith.constant 0 : index
    %get3A_2 = vector.load %arg3[%get3A, %get3A_1] : memref<128x512xf32, #tpu.memory_space<vmem>>, vector<16x512xf32>
    %get3A_3 = arith.index_cast %mul3A_0 : i32 to index
    %get3A_4 = arith.constant 0 : index
    %get3A_5 = vector.load %arg4[%get3A_3, %get3A_4] : memref<128x512xf32, #tpu.memory_space<vmem>>, vector<16x512xf32>
    %concatenate3A = tpu.concatenate %get3A_2, %get3A_5 in 0 : vector<16x512xf32>, vector<16x512xf32> -> vector<32x512xf32>
    %get3A_6 = arith.constant 0 : index
    %get3A_7 = arith.constant 0 : index
    %get3A_8 = vector.load %arg1[%get3A_6, %get3A_7] : memref<8192x512xf32, #tpu.memory_space<vmem>>, vector<8192x512xf32>
    %dot_general3A = arith.constant dense<0.000000e+00> : vector<32x8192xf32>
    %dot_general3A_9 = tpu.matmul %concatenate3A, %get3A_8, %dot_general3A {dimension_numbers = #tpu.dot_dimension_numbers<[1], [1], [0], [0], [0, 0, 1, 0], [], []>, transpose_lhs_hint = false} : vector<32x512xf32>, vector<8192x512xf32>, vector<32x8192xf32> -> vector<32x8192xf32>
    %broadcast_in_dim3A = arith.constant 0.000000e+00 : f32
    %broadcast_in_dim3A_10 = vector.broadcast %broadcast_in_dim3A : f32 to vector<32x512xf32>
    %iota3A = tpu.iota {dimensions = array<i32: 0>} : vector<32x512xi32>
    %jit3A = arith.constant 16 : i32
    %eq3A = arith.constant 0 : i32
    %eq3A_11 = arith.cmpi eq, %jit3A, %eq3A : i32
    %jit3A_12 = arith.constant 1 : i32
    %select_n3A = arith.select %eq3A_11, %jit3A_12, %jit3A : i32
    %rem3A = vector.broadcast %select_n3A : i32 to vector<32x512xi32>
    %rem3A_13 = arith.remsi %iota3A, %rem3A : vector<32x512xi32>
    %ne3A = arith.constant 0 : i32
    %ne3A_14 = vector.broadcast %ne3A : i32 to vector<32x512xi32>
    %ne3A_15 = arith.cmpi ne, %rem3A_13, %ne3A_14 : vector<32x512xi32>
    %lt3A = arith.constant 0 : i32
    %lt3A_16 = vector.broadcast %lt3A : i32 to vector<32x512xi32>
    %lt3A_17 = arith.cmpi slt, %rem3A_13, %lt3A_16 : vector<32x512xi32>
    %lt3A_18 = arith.constant 0 : i32
    %lt3A_19 = arith.cmpi slt, %select_n3A, %lt3A_18 : i32
    %ne3A_20 = vector.broadcast %lt3A_19 : i1 to vector<32x512xi1>
    %ne3A_21 = vector.broadcast %ne3A_20 : vector<32x512xi1> to vector<32x512xi1>
    %ne3A_22 = arith.xori %lt3A_17, %ne3A_21 : vector<32x512xi1>
    %and3A = arith.andi %ne3A_22, %ne3A_15 : vector<32x512xi1>
    %add3A = vector.broadcast %select_n3A : i32 to vector<32x512xi32>
    %add3A_23 = arith.addi %rem3A_13, %add3A : vector<32x512xi32>
    %select_n3A_24 = arith.select %and3A, %add3A_23, %rem3A_13 : vector<32x512xi1>, vector<32x512xi32>
    %eq3A_25 = arith.constant 0 : i32
    %eq3A_26 = vector.broadcast %eq3A_25 : i32 to vector<32x512xi32>
    %eq3A_27 = arith.cmpi eq, %select_n3A_24, %eq3A_26 : vector<32x512xi32>
    %slice3A = vector.extract_strided_slice %dot_general3A_9 {offsets = [0, 0], sizes = [32, 512], strides = [1, 1]} : vector<32x8192xf32> to vector<32x512xf32>
    %select_n3A_28 = arith.select %eq3A_27, %slice3A, %broadcast_in_dim3A_10 : vector<32x512xi1>, vector<32x512xf32>
    %jit3A_29 = arith.constant 16 : i32
    %eq3A_30 = arith.constant 0 : i32
    %eq3A_31 = arith.cmpi eq, %jit3A_29, %eq3A_30 : i32
    %jit3A_32 = arith.constant 1 : i32
    %select_n3A_33 = arith.select %eq3A_31, %jit3A_32, %jit3A_29 : i32
    %rem3A_34 = vector.broadcast %select_n3A_33 : i32 to vector<32x512xi32>
    %rem3A_35 = arith.remsi %iota3A, %rem3A_34 : vector<32x512xi32>
    %ne3A_36 = arith.constant 0 : i32
    %ne3A_37 = vector.broadcast %ne3A_36 : i32 to vector<32x512xi32>
    %ne3A_38 = arith.cmpi ne, %rem3A_35, %ne3A_37 : vector<32x512xi32>
    %lt3A_39 = arith.constant 0 : i32
    %lt3A_40 = vector.broadcast %lt3A_39 : i32 to vector<32x512xi32>
    %lt3A_41 = arith.cmpi slt, %rem3A_35, %lt3A_40 : vector<32x512xi32>
    %lt3A_42 = arith.constant 0 : i32
    %lt3A_43 = arith.cmpi slt, %select_n3A_33, %lt3A_42 : i32
    %ne3A_44 = vector.broadcast %lt3A_43 : i1 to vector<32x512xi1>
    %ne3A_45 = vector.broadcast %ne3A_44 : vector<32x512xi1> to vector<32x512xi1>
    %ne3A_46 = arith.xori %lt3A_41, %ne3A_45 : vector<32x512xi1>
    %and3A_47 = arith.andi %ne3A_46, %ne3A_38 : vector<32x512xi1>
    %add3A_48 = vector.broadcast %select_n3A_33 : i32 to vector<32x512xi32>
    %add3A_49 = arith.addi %rem3A_35, %add3A_48 : vector<32x512xi32>
    %select_n3A_50 = arith.select %and3A_47, %add3A_49, %rem3A_35 : vector<32x512xi1>, vector<32x512xi32>
    %eq3A_51 = arith.constant 1 : i32
    %eq3A_52 = vector.broadcast %eq3A_51 : i32 to vector<32x512xi32>
    %eq3A_53 = arith.cmpi eq, %select_n3A_50, %eq3A_52 : vector<32x512xi32>
    %slice3A_54 = vector.extract_strided_slice %dot_general3A_9 {offsets = [0, 512], sizes = [32, 512], strides = [1, 1]} : vector<32x8192xf32> to vector<32x512xf32>
    %select_n3A_55 = arith.select %eq3A_53, %slice3A_54, %select_n3A_28 : vector<32x512xi1>, vector<32x512xf32>
    %jit3A_56 = arith.constant 16 : i32
    %eq3A_57 = arith.constant 0 : i32
    %eq3A_58 = arith.cmpi eq, %jit3A_56, %eq3A_57 : i32
    %jit3A_59 = arith.constant 1 : i32
    %select_n3A_60 = arith.select %eq3A_58, %jit3A_59, %jit3A_56 : i32
    %rem3A_61 = vector.broadcast %select_n3A_60 : i32 to vector<32x512xi32>
    %rem3A_62 = arith.remsi %iota3A, %rem3A_61 : vector<32x512xi32>
    %ne3A_63 = arith.constant 0 : i32
    %ne3A_64 = vector.broadcast %ne3A_63 : i32 to vector<32x512xi32>
    %ne3A_65 = arith.cmpi ne, %rem3A_62, %ne3A_64 : vector<32x512xi32>
    %lt3A_66 = arith.constant 0 : i32
    %lt3A_67 = vector.broadcast %lt3A_66 : i32 to vector<32x512xi32>
    %lt3A_68 = arith.cmpi slt, %rem3A_62, %lt3A_67 : vector<32x512xi32>
    %lt3A_69 = arith.constant 0 : i32
    %lt3A_70 = arith.cmpi slt, %select_n3A_60, %lt3A_69 : i32
    %ne3A_71 = vector.broadcast %lt3A_70 : i1 to vector<32x512xi1>
    %ne3A_72 = vector.broadcast %ne3A_71 : vector<32x512xi1> to vector<32x512xi1>
    %ne3A_73 = arith.xori %lt3A_68, %ne3A_72 : vector<32x512xi1>
    %and3A_74 = arith.andi %ne3A_73, %ne3A_65 : vector<32x512xi1>
    %add3A_75 = vector.broadcast %select_n3A_60 : i32 to vector<32x512xi32>
    %add3A_76 = arith.addi %rem3A_62, %add3A_75 : vector<32x512xi32>
    %select_n3A_77 = arith.select %and3A_74, %add3A_76, %rem3A_62 : vector<32x512xi1>, vector<32x512xi32>
    %eq3A_78 = arith.constant 2 : i32
    %eq3A_79 = vector.broadcast %eq3A_78 : i32 to vector<32x512xi32>
    %eq3A_80 = arith.cmpi eq, %select_n3A_77, %eq3A_79 : vector<32x512xi32>
    %slice3A_81 = vector.extract_strided_slice %dot_general3A_9 {offsets = [0, 1024], sizes = [32, 512], strides = [1, 1]} : vector<32x8192xf32> to vector<32x512xf32>
    %select_n3A_82 = arith.select %eq3A_80, %slice3A_81, %select_n3A_55 : vector<32x512xi1>, vector<32x512xf32>
    %jit3A_83 = arith.constant 16 : i32
    %eq3A_84 = arith.constant 0 : i32
    %eq3A_85 = arith.cmpi eq, %jit3A_83, %eq3A_84 : i32
    %jit3A_86 = arith.constant 1 : i32
    %select_n3A_87 = arith.select %eq3A_85, %jit3A_86, %jit3A_83 : i32
    %rem3A_88 = vector.broadcast %select_n3A_87 : i32 to vector<32x512xi32>
    %rem3A_89 = arith.remsi %iota3A, %rem3A_88 : vector<32x512xi32>
    %ne3A_90 = arith.constant 0 : i32
    %ne3A_91 = vector.broadcast %ne3A_90 : i32 to vector<32x512xi32>
    %ne3A_92 = arith.cmpi ne, %rem3A_89, %ne3A_91 : vector<32x512xi32>
    %lt3A_93 = arith.constant 0 : i32
    %lt3A_94 = vector.broadcast %lt3A_93 : i32 to vector<32x512xi32>
    %lt3A_95 = arith.cmpi slt, %rem3A_89, %lt3A_94 : vector<32x512xi32>
    %lt3A_96 = arith.constant 0 : i32
    %lt3A_97 = arith.cmpi slt, %select_n3A_87, %lt3A_96 : i32
    %ne3A_98 = vector.broadcast %lt3A_97 : i1 to vector<32x512xi1>
    %ne3A_99 = vector.broadcast %ne3A_98 : vector<32x512xi1> to vector<32x512xi1>
    %ne3A_100 = arith.xori %lt3A_95, %ne3A_99 : vector<32x512xi1>
    %and3A_101 = arith.andi %ne3A_100, %ne3A_92 : vector<32x512xi1>
    %add3A_102 = vector.broadcast %select_n3A_87 : i32 to vector<32x512xi32>
    %add3A_103 = arith.addi %rem3A_89, %add3A_102 : vector<32x512xi32>
    %select_n3A_104 = arith.select %and3A_101, %add3A_103, %rem3A_89 : vector<32x512xi1>, vector<32x512xi32>
    %eq3A_105 = arith.constant 3 : i32
    %eq3A_106 = vector.broadcast %eq3A_105 : i32 to vector<32x512xi32>
    %eq3A_107 = arith.cmpi eq, %select_n3A_104, %eq3A_106 : vector<32x512xi32>
    %slice3A_108 = vector.extract_strided_slice %dot_general3A_9 {offsets = [0, 1536], sizes = [32, 512], strides = [1, 1]} : vector<32x8192xf32> to vector<32x512xf32>
    %select_n3A_109 = arith.select %eq3A_107, %slice3A_108, %select_n3A_82 : vector<32x512xi1>, vector<32x512xf32>
    %jit3A_110 = arith.constant 16 : i32
    %eq3A_111 = arith.constant 0 : i32
    %eq3A_112 = arith.cmpi eq, %jit3A_110, %eq3A_111 : i32
    %jit3A_113 = arith.constant 1 : i32
    %select_n3A_114 = arith.select %eq3A_112, %jit3A_113, %jit3A_110 : i32
    %rem3A_115 = vector.broadcast %select_n3A_114 : i32 to vector<32x512xi32>
    %rem3A_116 = arith.remsi %iota3A, %rem3A_115 : vector<32x512xi32>
    %ne3A_117 = arith.constant 0 : i32
    %ne3A_118 = vector.broadcast %ne3A_117 : i32 to vector<32x512xi32>
    %ne3A_119 = arith.cmpi ne, %rem3A_116, %ne3A_118 : vector<32x512xi32>
    %lt3A_120 = arith.constant 0 : i32
    %lt3A_121 = vector.broadcast %lt3A_120 : i32 to vector<32x512xi32>
    %lt3A_122 = arith.cmpi slt, %rem3A_116, %lt3A_121 : vector<32x512xi32>
    %lt3A_123 = arith.constant 0 : i32
    %lt3A_124 = arith.cmpi slt, %select_n3A_114, %lt3A_123 : i32
    %ne3A_125 = vector.broadcast %lt3A_124 : i1 to vector<32x512xi1>
    %ne3A_126 = vector.broadcast %ne3A_125 : vector<32x512xi1> to vector<32x512xi1>
    %ne3A_127 = arith.xori %lt3A_122, %ne3A_126 : vector<32x512xi1>
    %and3A_128 = arith.andi %ne3A_127, %ne3A_119 : vector<32x512xi1>
    %add3A_129 = vector.broadcast %select_n3A_114 : i32 to vector<32x512xi32>
    %add3A_130 = arith.addi %rem3A_116, %add3A_129 : vector<32x512xi32>
    %select_n3A_131 = arith.select %and3A_128, %add3A_130, %rem3A_116 : vector<32x512xi1>, vector<32x512xi32>
    %eq3A_132 = arith.constant 4 : i32
    %eq3A_133 = vector.broadcast %eq3A_132 : i32 to vector<32x512xi32>
    %eq3A_134 = arith.cmpi eq, %select_n3A_131, %eq3A_133 : vector<32x512xi32>
    %slice3A_135 = vector.extract_strided_slice %dot_general3A_9 {offsets = [0, 2048], sizes = [32, 512], strides = [1, 1]} : vector<32x8192xf32> to vector<32x512xf32>
    %select_n3A_136 = arith.select %eq3A_134, %slice3A_135, %select_n3A_109 : vector<32x512xi1>, vector<32x512xf32>
    %jit3A_137 = arith.constant 16 : i32
    %eq3A_138 = arith.constant 0 : i32
    %eq3A_139 = arith.cmpi eq, %jit3A_137, %eq3A_138 : i32
    %jit3A_140 = arith.constant 1 : i32
    %select_n3A_141 = arith.select %eq3A_139, %jit3A_140, %jit3A_137 : i32
    %rem3A_142 = vector.broadcast %select_n3A_141 : i32 to vector<32x512xi32>
    %rem3A_143 = arith.remsi %iota3A, %rem3A_142 : vector<32x512xi32>
    %ne3A_144 = arith.constant 0 : i32
    %ne3A_145 = vector.broadcast %ne3A_144 : i32 to vector<32x512xi32>
    %ne3A_146 = arith.cmpi ne, %rem3A_143, %ne3A_145 : vector<32x512xi32>
    %lt3A_147 = arith.constant 0 : i32
    %lt3A_148 = vector.broadcast %lt3A_147 : i32 to vector<32x512xi32>
    %lt3A_149 = arith.cmpi slt, %rem3A_143, %lt3A_148 : vector<32x512xi32>
    %lt3A_150 = arith.constant 0 : i32
    %lt3A_151 = arith.cmpi slt, %select_n3A_141, %lt3A_150 : i32
    %ne3A_152 = vector.broadcast %lt3A_151 : i1 to vector<32x512xi1>
    %ne3A_153 = vector.broadcast %ne3A_152 : vector<32x512xi1> to vector<32x512xi1>
    %ne3A_154 = arith.xori %lt3A_149, %ne3A_153 : vector<32x512xi1>
    %and3A_155 = arith.andi %ne3A_154, %ne3A_146 : vector<32x512xi1>
    %add3A_156 = vector.broadcast %select_n3A_141 : i32 to vector<32x512xi32>
    %add3A_157 = arith.addi %rem3A_143, %add3A_156 : vector<32x512xi32>
    %select_n3A_158 = arith.select %and3A_155, %add3A_157, %rem3A_143 : vector<32x512xi1>, vector<32x512xi32>
    %eq3A_159 = arith.constant 5 : i32
    %eq3A_160 = vector.broadcast %eq3A_159 : i32 to vector<32x512xi32>
    %eq3A_161 = arith.cmpi eq, %select_n3A_158, %eq3A_160 : vector<32x512xi32>
    %slice3A_162 = vector.extract_strided_slice %dot_general3A_9 {offsets = [0, 2560], sizes = [32, 512], strides = [1, 1]} : vector<32x8192xf32> to vector<32x512xf32>
    %select_n3A_163 = arith.select %eq3A_161, %slice3A_162, %select_n3A_136 : vector<32x512xi1>, vector<32x512xf32>
    %jit3A_164 = arith.constant 16 : i32
    %eq3A_165 = arith.constant 0 : i32
    %eq3A_166 = arith.cmpi eq, %jit3A_164, %eq3A_165 : i32
    %jit3A_167 = arith.constant 1 : i32
    %select_n3A_168 = arith.select %eq3A_166, %jit3A_167, %jit3A_164 : i32
    %rem3A_169 = vector.broadcast %select_n3A_168 : i32 to vector<32x512xi32>
    %rem3A_170 = arith.remsi %iota3A, %rem3A_169 : vector<32x512xi32>
    %ne3A_171 = arith.constant 0 : i32
    %ne3A_172 = vector.broadcast %ne3A_171 : i32 to vector<32x512xi32>
    %ne3A_173 = arith.cmpi ne, %rem3A_170, %ne3A_172 : vector<32x512xi32>
    %lt3A_174 = arith.constant 0 : i32
    %lt3A_175 = vector.broadcast %lt3A_174 : i32 to vector<32x512xi32>
    %lt3A_176 = arith.cmpi slt, %rem3A_170, %lt3A_175 : vector<32x512xi32>
    %lt3A_177 = arith.constant 0 : i32
    %lt3A_178 = arith.cmpi slt, %select_n3A_168, %lt3A_177 : i32
    %ne3A_179 = vector.broadcast %lt3A_178 : i1 to vector<32x512xi1>
    %ne3A_180 = vector.broadcast %ne3A_179 : vector<32x512xi1> to vector<32x512xi1>
    %ne3A_181 = arith.xori %lt3A_176, %ne3A_180 : vector<32x512xi1>
    %and3A_182 = arith.andi %ne3A_181, %ne3A_173 : vector<32x512xi1>
    %add3A_183 = vector.broadcast %select_n3A_168 : i32 to vector<32x512xi32>
    %add3A_184 = arith.addi %rem3A_170, %add3A_183 : vector<32x512xi32>
    %select_n3A_185 = arith.select %and3A_182, %add3A_184, %rem3A_170 : vector<32x512xi1>, vector<32x512xi32>
    %eq3A_186 = arith.constant 6 : i32
    %eq3A_187 = vector.broadcast %eq3A_186 : i32 to vector<32x512xi32>
    %eq3A_188 = arith.cmpi eq, %select_n3A_185, %eq3A_187 : vector<32x512xi32>
    %slice3A_189 = vector.extract_strided_slice %dot_general3A_9 {offsets = [0, 3072], sizes = [32, 512], strides = [1, 1]} : vector<32x8192xf32> to vector<32x512xf32>
    %select_n3A_190 = arith.select %eq3A_188, %slice3A_189, %select_n3A_163 : vector<32x512xi1>, vector<32x512xf32>
    %jit3A_191 = arith.constant 16 : i32
    %eq3A_192 = arith.constant 0 : i32
    %eq3A_193 = arith.cmpi eq, %jit3A_191, %eq3A_192 : i32
    %jit3A_194 = arith.constant 1 : i32
    %select_n3A_195 = arith.select %eq3A_193, %jit3A_194, %jit3A_191 : i32
    %rem3A_196 = vector.broadcast %select_n3A_195 : i32 to vector<32x512xi32>
    %rem3A_197 = arith.remsi %iota3A, %rem3A_196 : vector<32x512xi32>
    %ne3A_198 = arith.constant 0 : i32
    %ne3A_199 = vector.broadcast %ne3A_198 : i32 to vector<32x512xi32>
    %ne3A_200 = arith.cmpi ne, %rem3A_197, %ne3A_199 : vector<32x512xi32>
    %lt3A_201 = arith.constant 0 : i32
    %lt3A_202 = vector.broadcast %lt3A_201 : i32 to vector<32x512xi32>
    %lt3A_203 = arith.cmpi slt, %rem3A_197, %lt3A_202 : vector<32x512xi32>
    %lt3A_204 = arith.constant 0 : i32
    %lt3A_205 = arith.cmpi slt, %select_n3A_195, %lt3A_204 : i32
    %ne3A_206 = vector.broadcast %lt3A_205 : i1 to vector<32x512xi1>
    %ne3A_207 = vector.broadcast %ne3A_206 : vector<32x512xi1> to vector<32x512xi1>
    %ne3A_208 = arith.xori %lt3A_203, %ne3A_207 : vector<32x512xi1>
    %and3A_209 = arith.andi %ne3A_208, %ne3A_200 : vector<32x512xi1>
    %add3A_210 = vector.broadcast %select_n3A_195 : i32 to vector<32x512xi32>
    %add3A_211 = arith.addi %rem3A_197, %add3A_210 : vector<32x512xi32>
    %select_n3A_212 = arith.select %and3A_209, %add3A_211, %rem3A_197 : vector<32x512xi1>, vector<32x512xi32>
    %eq3A_213 = arith.constant 7 : i32
    %eq3A_214 = vector.broadcast %eq3A_213 : i32 to vector<32x512xi32>
    %eq3A_215 = arith.cmpi eq, %select_n3A_212, %eq3A_214 : vector<32x512xi32>
    %slice3A_216 = vector.extract_strided_slice %dot_general3A_9 {offsets = [0, 3584], sizes = [32, 512], strides = [1, 1]} : vector<32x8192xf32> to vector<32x512xf32>
    %select_n3A_217 = arith.select %eq3A_215, %slice3A_216, %select_n3A_190 : vector<32x512xi1>, vector<32x512xf32>
    %jit3A_218 = arith.constant 16 : i32
    %eq3A_219 = arith.constant 0 : i32
    %eq3A_220 = arith.cmpi eq, %jit3A_218, %eq3A_219 : i32
    %jit3A_221 = arith.constant 1 : i32
    %select_n3A_222 = arith.select %eq3A_220, %jit3A_221, %jit3A_218 : i32
    %rem3A_223 = vector.broadcast %select_n3A_222 : i32 to vector<32x512xi32>
    %rem3A_224 = arith.remsi %iota3A, %rem3A_223 : vector<32x512xi32>
    %ne3A_225 = arith.constant 0 : i32
    %ne3A_226 = vector.broadcast %ne3A_225 : i32 to vector<32x512xi32>
    %ne3A_227 = arith.cmpi ne, %rem3A_224, %ne3A_226 : vector<32x512xi32>
    %lt3A_228 = arith.constant 0 : i32
    %lt3A_229 = vector.broadcast %lt3A_228 : i32 to vector<32x512xi32>
    %lt3A_230 = arith.cmpi slt, %rem3A_224, %lt3A_229 : vector<32x512xi32>
    %lt3A_231 = arith.constant 0 : i32
    %lt3A_232 = arith.cmpi slt, %select_n3A_222, %lt3A_231 : i32
    %ne3A_233 = vector.broadcast %lt3A_232 : i1 to vector<32x512xi1>
    %ne3A_234 = vector.broadcast %ne3A_233 : vector<32x512xi1> to vector<32x512xi1>
    %ne3A_235 = arith.xori %lt3A_230, %ne3A_234 : vector<32x512xi1>
    %and3A_236 = arith.andi %ne3A_235, %ne3A_227 : vector<32x512xi1>
    %add3A_237 = vector.broadcast %select_n3A_222 : i32 to vector<32x512xi32>
    %add3A_238 = arith.addi %rem3A_224, %add3A_237 : vector<32x512xi32>
    %select_n3A_239 = arith.select %and3A_236, %add3A_238, %rem3A_224 : vector<32x512xi1>, vector<32x512xi32>
    %eq3A_240 = arith.constant 8 : i32
    %eq3A_241 = vector.broadcast %eq3A_240 : i32 to vector<32x512xi32>
    %eq3A_242 = arith.cmpi eq, %select_n3A_239, %eq3A_241 : vector<32x512xi32>
    %slice3A_243 = vector.extract_strided_slice %dot_general3A_9 {offsets = [0, 4096], sizes = [32, 512], strides = [1, 1]} : vector<32x8192xf32> to vector<32x512xf32>
    %select_n3A_244 = arith.select %eq3A_242, %slice3A_243, %select_n3A_217 : vector<32x512xi1>, vector<32x512xf32>
    %jit3A_245 = arith.constant 16 : i32
    %eq3A_246 = arith.constant 0 : i32
    %eq3A_247 = arith.cmpi eq, %jit3A_245, %eq3A_246 : i32
    %jit3A_248 = arith.constant 1 : i32
    %select_n3A_249 = arith.select %eq3A_247, %jit3A_248, %jit3A_245 : i32
    %rem3A_250 = vector.broadcast %select_n3A_249 : i32 to vector<32x512xi32>
    %rem3A_251 = arith.remsi %iota3A, %rem3A_250 : vector<32x512xi32>
    %ne3A_252 = arith.constant 0 : i32
    %ne3A_253 = vector.broadcast %ne3A_252 : i32 to vector<32x512xi32>
    %ne3A_254 = arith.cmpi ne, %rem3A_251, %ne3A_253 : vector<32x512xi32>
    %lt3A_255 = arith.constant 0 : i32
    %lt3A_256 = vector.broadcast %lt3A_255 : i32 to vector<32x512xi32>
    %lt3A_257 = arith.cmpi slt, %rem3A_251, %lt3A_256 : vector<32x512xi32>
    %lt3A_258 = arith.constant 0 : i32
    %lt3A_259 = arith.cmpi slt, %select_n3A_249, %lt3A_258 : i32
    %ne3A_260 = vector.broadcast %lt3A_259 : i1 to vector<32x512xi1>
    %ne3A_261 = vector.broadcast %ne3A_260 : vector<32x512xi1> to vector<32x512xi1>
    %ne3A_262 = arith.xori %lt3A_257, %ne3A_261 : vector<32x512xi1>
    %and3A_263 = arith.andi %ne3A_262, %ne3A_254 : vector<32x512xi1>
    %add3A_264 = vector.broadcast %select_n3A_249 : i32 to vector<32x512xi32>
    %add3A_265 = arith.addi %rem3A_251, %add3A_264 : vector<32x512xi32>
    %select_n3A_266 = arith.select %and3A_263, %add3A_265, %rem3A_251 : vector<32x512xi1>, vector<32x512xi32>
    %eq3A_267 = arith.constant 9 : i32
    %eq3A_268 = vector.broadcast %eq3A_267 : i32 to vector<32x512xi32>
    %eq3A_269 = arith.cmpi eq, %select_n3A_266, %eq3A_268 : vector<32x512xi32>
    %slice3A_270 = vector.extract_strided_slice %dot_general3A_9 {offsets = [0, 4608], sizes = [32, 512], strides = [1, 1]} : vector<32x8192xf32> to vector<32x512xf32>
    %select_n3A_271 = arith.select %eq3A_269, %slice3A_270, %select_n3A_244 : vector<32x512xi1>, vector<32x512xf32>
    %jit3A_272 = arith.constant 16 : i32
    %eq3A_273 = arith.constant 0 : i32
    %eq3A_274 = arith.cmpi eq, %jit3A_272, %eq3A_273 : i32
    %jit3A_275 = arith.constant 1 : i32
    %select_n3A_276 = arith.select %eq3A_274, %jit3A_275, %jit3A_272 : i32
    %rem3A_277 = vector.broadcast %select_n3A_276 : i32 to vector<32x512xi32>
    %rem3A_278 = arith.remsi %iota3A, %rem3A_277 : vector<32x512xi32>
    %ne3A_279 = arith.constant 0 : i32
    %ne3A_280 = vector.broadcast %ne3A_279 : i32 to vector<32x512xi32>
    %ne3A_281 = arith.cmpi ne, %rem3A_278, %ne3A_280 : vector<32x512xi32>
    %lt3A_282 = arith.constant 0 : i32
    %lt3A_283 = vector.broadcast %lt3A_282 : i32 to vector<32x512xi32>
    %lt3A_284 = arith.cmpi slt, %rem3A_278, %lt3A_283 : vector<32x512xi32>
    %lt3A_285 = arith.constant 0 : i32
    %lt3A_286 = arith.cmpi slt, %select_n3A_276, %lt3A_285 : i32
    %ne3A_287 = vector.broadcast %lt3A_286 : i1 to vector<32x512xi1>
    %ne3A_288 = vector.broadcast %ne3A_287 : vector<32x512xi1> to vector<32x512xi1>
    %ne3A_289 = arith.xori %lt3A_284, %ne3A_288 : vector<32x512xi1>
    %and3A_290 = arith.andi %ne3A_289, %ne3A_281 : vector<32x512xi1>
    %add3A_291 = vector.broadcast %select_n3A_276 : i32 to vector<32x512xi32>
    %add3A_292 = arith.addi %rem3A_278, %add3A_291 : vector<32x512xi32>
    %select_n3A_293 = arith.select %and3A_290, %add3A_292, %rem3A_278 : vector<32x512xi1>, vector<32x512xi32>
    %eq3A_294 = arith.constant 10 : i32
    %eq3A_295 = vector.broadcast %eq3A_294 : i32 to vector<32x512xi32>
    %eq3A_296 = arith.cmpi eq, %select_n3A_293, %eq3A_295 : vector<32x512xi32>
    %slice3A_297 = vector.extract_strided_slice %dot_general3A_9 {offsets = [0, 5120], sizes = [32, 512], strides = [1, 1]} : vector<32x8192xf32> to vector<32x512xf32>
    %select_n3A_298 = arith.select %eq3A_296, %slice3A_297, %select_n3A_271 : vector<32x512xi1>, vector<32x512xf32>
    %jit3A_299 = arith.constant 16 : i32
    %eq3A_300 = arith.constant 0 : i32
    %eq3A_301 = arith.cmpi eq, %jit3A_299, %eq3A_300 : i32
    %jit3A_302 = arith.constant 1 : i32
    %select_n3A_303 = arith.select %eq3A_301, %jit3A_302, %jit3A_299 : i32
    %rem3A_304 = vector.broadcast %select_n3A_303 : i32 to vector<32x512xi32>
    %rem3A_305 = arith.remsi %iota3A, %rem3A_304 : vector<32x512xi32>
    %ne3A_306 = arith.constant 0 : i32
    %ne3A_307 = vector.broadcast %ne3A_306 : i32 to vector<32x512xi32>
    %ne3A_308 = arith.cmpi ne, %rem3A_305, %ne3A_307 : vector<32x512xi32>
    %lt3A_309 = arith.constant 0 : i32
    %lt3A_310 = vector.broadcast %lt3A_309 : i32 to vector<32x512xi32>
    %lt3A_311 = arith.cmpi slt, %rem3A_305, %lt3A_310 : vector<32x512xi32>
    %lt3A_312 = arith.constant 0 : i32
    %lt3A_313 = arith.cmpi slt, %select_n3A_303, %lt3A_312 : i32
    %ne3A_314 = vector.broadcast %lt3A_313 : i1 to vector<32x512xi1>
    %ne3A_315 = vector.broadcast %ne3A_314 : vector<32x512xi1> to vector<32x512xi1>
    %ne3A_316 = arith.xori %lt3A_311, %ne3A_315 : vector<32x512xi1>
    %and3A_317 = arith.andi %ne3A_316, %ne3A_308 : vector<32x512xi1>
    %add3A_318 = vector.broadcast %select_n3A_303 : i32 to vector<32x512xi32>
    %add3A_319 = arith.addi %rem3A_305, %add3A_318 : vector<32x512xi32>
    %select_n3A_320 = arith.select %and3A_317, %add3A_319, %rem3A_305 : vector<32x512xi1>, vector<32x512xi32>
    %eq3A_321 = arith.constant 11 : i32
    %eq3A_322 = vector.broadcast %eq3A_321 : i32 to vector<32x512xi32>
    %eq3A_323 = arith.cmpi eq, %select_n3A_320, %eq3A_322 : vector<32x512xi32>
    %slice3A_324 = vector.extract_strided_slice %dot_general3A_9 {offsets = [0, 5632], sizes = [32, 512], strides = [1, 1]} : vector<32x8192xf32> to vector<32x512xf32>
    %select_n3A_325 = arith.select %eq3A_323, %slice3A_324, %select_n3A_298 : vector<32x512xi1>, vector<32x512xf32>
    %jit3A_326 = arith.constant 16 : i32
    %eq3A_327 = arith.constant 0 : i32
    %eq3A_328 = arith.cmpi eq, %jit3A_326, %eq3A_327 : i32
    %jit3A_329 = arith.constant 1 : i32
    %select_n3A_330 = arith.select %eq3A_328, %jit3A_329, %jit3A_326 : i32
    %rem3A_331 = vector.broadcast %select_n3A_330 : i32 to vector<32x512xi32>
    %rem3A_332 = arith.remsi %iota3A, %rem3A_331 : vector<32x512xi32>
    %ne3A_333 = arith.constant 0 : i32
    %ne3A_334 = vector.broadcast %ne3A_333 : i32 to vector<32x512xi32>
    %ne3A_335 = arith.cmpi ne, %rem3A_332, %ne3A_334 : vector<32x512xi32>
    %lt3A_336 = arith.constant 0 : i32
    %lt3A_337 = vector.broadcast %lt3A_336 : i32 to vector<32x512xi32>
    %lt3A_338 = arith.cmpi slt, %rem3A_332, %lt3A_337 : vector<32x512xi32>
    %lt3A_339 = arith.constant 0 : i32
    %lt3A_340 = arith.cmpi slt, %select_n3A_330, %lt3A_339 : i32
    %ne3A_341 = vector.broadcast %lt3A_340 : i1 to vector<32x512xi1>
    %ne3A_342 = vector.broadcast %ne3A_341 : vector<32x512xi1> to vector<32x512xi1>
    %ne3A_343 = arith.xori %lt3A_338, %ne3A_342 : vector<32x512xi1>
    %and3A_344 = arith.andi %ne3A_343, %ne3A_335 : vector<32x512xi1>
    %add3A_345 = vector.broadcast %select_n3A_330 : i32 to vector<32x512xi32>
    %add3A_346 = arith.addi %rem3A_332, %add3A_345 : vector<32x512xi32>
    %select_n3A_347 = arith.select %and3A_344, %add3A_346, %rem3A_332 : vector<32x512xi1>, vector<32x512xi32>
    %eq3A_348 = arith.constant 12 : i32
    %eq3A_349 = vector.broadcast %eq3A_348 : i32 to vector<32x512xi32>
    %eq3A_350 = arith.cmpi eq, %select_n3A_347, %eq3A_349 : vector<32x512xi32>
    %slice3A_351 = vector.extract_strided_slice %dot_general3A_9 {offsets = [0, 6144], sizes = [32, 512], strides = [1, 1]} : vector<32x8192xf32> to vector<32x512xf32>
    %select_n3A_352 = arith.select %eq3A_350, %slice3A_351, %select_n3A_325 : vector<32x512xi1>, vector<32x512xf32>
    %jit3A_353 = arith.constant 16 : i32
    %eq3A_354 = arith.constant 0 : i32
    %eq3A_355 = arith.cmpi eq, %jit3A_353, %eq3A_354 : i32
    %jit3A_356 = arith.constant 1 : i32
    %select_n3A_357 = arith.select %eq3A_355, %jit3A_356, %jit3A_353 : i32
    %rem3A_358 = vector.broadcast %select_n3A_357 : i32 to vector<32x512xi32>
    %rem3A_359 = arith.remsi %iota3A, %rem3A_358 : vector<32x512xi32>
    %ne3A_360 = arith.constant 0 : i32
    %ne3A_361 = vector.broadcast %ne3A_360 : i32 to vector<32x512xi32>
    %ne3A_362 = arith.cmpi ne, %rem3A_359, %ne3A_361 : vector<32x512xi32>
    %lt3A_363 = arith.constant 0 : i32
    %lt3A_364 = vector.broadcast %lt3A_363 : i32 to vector<32x512xi32>
    %lt3A_365 = arith.cmpi slt, %rem3A_359, %lt3A_364 : vector<32x512xi32>
    %lt3A_366 = arith.constant 0 : i32
    %lt3A_367 = arith.cmpi slt, %select_n3A_357, %lt3A_366 : i32
    %ne3A_368 = vector.broadcast %lt3A_367 : i1 to vector<32x512xi1>
    %ne3A_369 = vector.broadcast %ne3A_368 : vector<32x512xi1> to vector<32x512xi1>
    %ne3A_370 = arith.xori %lt3A_365, %ne3A_369 : vector<32x512xi1>
    %and3A_371 = arith.andi %ne3A_370, %ne3A_362 : vector<32x512xi1>
    %add3A_372 = vector.broadcast %select_n3A_357 : i32 to vector<32x512xi32>
    %add3A_373 = arith.addi %rem3A_359, %add3A_372 : vector<32x512xi32>
    %select_n3A_374 = arith.select %and3A_371, %add3A_373, %rem3A_359 : vector<32x512xi1>, vector<32x512xi32>
    %eq3A_375 = arith.constant 13 : i32
    %eq3A_376 = vector.broadcast %eq3A_375 : i32 to vector<32x512xi32>
    %eq3A_377 = arith.cmpi eq, %select_n3A_374, %eq3A_376 : vector<32x512xi32>
    %slice3A_378 = vector.extract_strided_slice %dot_general3A_9 {offsets = [0, 6656], sizes = [32, 512], strides = [1, 1]} : vector<32x8192xf32> to vector<32x512xf32>
    %select_n3A_379 = arith.select %eq3A_377, %slice3A_378, %select_n3A_352 : vector<32x512xi1>, vector<32x512xf32>
    %jit3A_380 = arith.constant 16 : i32
    %eq3A_381 = arith.constant 0 : i32
    %eq3A_382 = arith.cmpi eq, %jit3A_380, %eq3A_381 : i32
    %jit3A_383 = arith.constant 1 : i32
    %select_n3A_384 = arith.select %eq3A_382, %jit3A_383, %jit3A_380 : i32
    %rem3A_385 = vector.broadcast %select_n3A_384 : i32 to vector<32x512xi32>
    %rem3A_386 = arith.remsi %iota3A, %rem3A_385 : vector<32x512xi32>
    %ne3A_387 = arith.constant 0 : i32
    %ne3A_388 = vector.broadcast %ne3A_387 : i32 to vector<32x512xi32>
    %ne3A_389 = arith.cmpi ne, %rem3A_386, %ne3A_388 : vector<32x512xi32>
    %lt3A_390 = arith.constant 0 : i32
    %lt3A_391 = vector.broadcast %lt3A_390 : i32 to vector<32x512xi32>
    %lt3A_392 = arith.cmpi slt, %rem3A_386, %lt3A_391 : vector<32x512xi32>
    %lt3A_393 = arith.constant 0 : i32
    %lt3A_394 = arith.cmpi slt, %select_n3A_384, %lt3A_393 : i32
    %ne3A_395 = vector.broadcast %lt3A_394 : i1 to vector<32x512xi1>
    %ne3A_396 = vector.broadcast %ne3A_395 : vector<32x512xi1> to vector<32x512xi1>
    %ne3A_397 = arith.xori %lt3A_392, %ne3A_396 : vector<32x512xi1>
    %and3A_398 = arith.andi %ne3A_397, %ne3A_389 : vector<32x512xi1>
    %add3A_399 = vector.broadcast %select_n3A_384 : i32 to vector<32x512xi32>
    %add3A_400 = arith.addi %rem3A_386, %add3A_399 : vector<32x512xi32>
    %select_n3A_401 = arith.select %and3A_398, %add3A_400, %rem3A_386 : vector<32x512xi1>, vector<32x512xi32>
    %eq3A_402 = arith.constant 14 : i32
    %eq3A_403 = vector.broadcast %eq3A_402 : i32 to vector<32x512xi32>
    %eq3A_404 = arith.cmpi eq, %select_n3A_401, %eq3A_403 : vector<32x512xi32>
    %slice3A_405 = vector.extract_strided_slice %dot_general3A_9 {offsets = [0, 7168], sizes = [32, 512], strides = [1, 1]} : vector<32x8192xf32> to vector<32x512xf32>
    %select_n3A_406 = arith.select %eq3A_404, %slice3A_405, %select_n3A_379 : vector<32x512xi1>, vector<32x512xf32>
    %jit3A_407 = arith.constant 16 : i32
    %eq3A_408 = arith.constant 0 : i32
    %eq3A_409 = arith.cmpi eq, %jit3A_407, %eq3A_408 : i32
    %jit3A_410 = arith.constant 1 : i32
    %select_n3A_411 = arith.select %eq3A_409, %jit3A_410, %jit3A_407 : i32
    %rem3A_412 = vector.broadcast %select_n3A_411 : i32 to vector<32x512xi32>
    %rem3A_413 = arith.remsi %iota3A, %rem3A_412 : vector<32x512xi32>
    %ne3A_414 = arith.constant 0 : i32
    %ne3A_415 = vector.broadcast %ne3A_414 : i32 to vector<32x512xi32>
    %ne3A_416 = arith.cmpi ne, %rem3A_413, %ne3A_415 : vector<32x512xi32>
    %lt3A_417 = arith.constant 0 : i32
    %lt3A_418 = vector.broadcast %lt3A_417 : i32 to vector<32x512xi32>
    %lt3A_419 = arith.cmpi slt, %rem3A_413, %lt3A_418 : vector<32x512xi32>
    %lt3A_420 = arith.constant 0 : i32
    %lt3A_421 = arith.cmpi slt, %select_n3A_411, %lt3A_420 : i32
    %ne3A_422 = vector.broadcast %lt3A_421 : i1 to vector<32x512xi1>
    %ne3A_423 = vector.broadcast %ne3A_422 : vector<32x512xi1> to vector<32x512xi1>
    %ne3A_424 = arith.xori %lt3A_419, %ne3A_423 : vector<32x512xi1>
    %and3A_425 = arith.andi %ne3A_424, %ne3A_416 : vector<32x512xi1>
    %add3A_426 = vector.broadcast %select_n3A_411 : i32 to vector<32x512xi32>
    %add3A_427 = arith.addi %rem3A_413, %add3A_426 : vector<32x512xi32>
    %select_n3A_428 = arith.select %and3A_425, %add3A_427, %rem3A_413 : vector<32x512xi1>, vector<32x512xi32>
    %eq3A_429 = arith.constant 15 : i32
    %eq3A_430 = vector.broadcast %eq3A_429 : i32 to vector<32x512xi32>
    %eq3A_431 = arith.cmpi eq, %select_n3A_428, %eq3A_430 : vector<32x512xi32>
    %slice3A_432 = vector.extract_strided_slice %dot_general3A_9 {offsets = [0, 7680], sizes = [32, 512], strides = [1, 1]} : vector<32x8192xf32> to vector<32x512xf32>
    %select_n3A_433 = arith.select %eq3A_431, %slice3A_432, %select_n3A_406 : vector<32x512xi1>, vector<32x512xf32>
    %get3A_434 = arith.index_cast %mul3A_0 : i32 to index
    %get3A_435 = arith.constant 0 : index
    %get3A_436 = vector.load %arg2[%get3A_434, %get3A_435] : memref<256x512xf32, #tpu.memory_space<vmem>>, vector<16x512xf32>
    %add3A_437 = arith.constant 128 : i32
    %add3A_438 = arith.addi %mul3A_0, %add3A_437 : i32
    %get3A_439 = arith.index_cast %add3A_438 : i32 to index
    %get3A_440 = arith.constant 0 : index
    %get3A_441 = vector.load %arg2[%get3A_439, %get3A_440] : memref<256x512xf32, #tpu.memory_space<vmem>>, vector<16x512xf32>
    %concatenate3A_442 = tpu.concatenate %get3A_436, %get3A_441 in 0 : vector<16x512xf32>, vector<16x512xf32> -> vector<32x512xf32>
    %concatenate3A_443 = tpu.concatenate %concatenate3A_442, %select_n3A_433 in 1 : vector<32x512xf32>, vector<32x512xf32> -> vector<32x1024xf32>
    %div3A = arith.constant 7.000000e-02 : f32
    %div3A_444 = vector.broadcast %div3A : f32 to vector<32x1024xf32>
    %div3A_445 = arith.divf %concatenate3A_443, %div3A_444 : vector<32x1024xf32>
    %reduce_max3A = arith.constant dense<0xFF800000> : vector<32xf32>
    %reduce_max3A_446 = vector.multi_reduction <maximumf>, %div3A_445, %reduce_max3A [1] : vector<32x1024xf32> to vector<32xf32>
    %broadcast_in_dim3A_447 = vector.shape_cast %reduce_max3A_446 : vector<32xf32> to vector<32x1xf32>
    %sub3A = vector.broadcast %broadcast_in_dim3A_447 : vector<32x1xf32> to vector<32x1024xf32>
    %sub3A_448 = arith.subf %div3A_445, %sub3A : vector<32x1024xf32>
    %exp3A = math.exp %sub3A_448 : vector<32x1024xf32>
    %reduce_sum3A = arith.constant dense<0.000000e+00> : vector<32xf32>
    %reduce_sum3A_449 = vector.multi_reduction <add>, %exp3A, %reduce_sum3A [1] : vector<32x1024xf32> to vector<32xf32>
    %broadcast_in_dim3A_450 = vector.shape_cast %reduce_sum3A_449 : vector<32xf32> to vector<32x1xf32>
    %log3A = math.log %broadcast_in_dim3A_450 : vector<32x1xf32>
    %add3A_451 = arith.addf %broadcast_in_dim3A_447, %log3A : vector<32x1xf32>
    %iota3A_452 = tpu.iota {dimensions = array<i32: 1>} : vector<32x1024xi32>
    %eq3A_453 = arith.constant 0 : i32
    %eq3A_454 = vector.broadcast %eq3A_453 : i32 to vector<32x1024xi32>
    %eq3A_455 = arith.cmpi eq, %iota3A_452, %eq3A_454 : vector<32x1024xi32>
    %eq3A_456 = arith.constant 512 : i32
    %eq3A_457 = vector.broadcast %eq3A_456 : i32 to vector<32x1024xi32>
    %eq3A_458 = arith.cmpi eq, %iota3A_452, %eq3A_457 : vector<32x1024xi32>
    %or3A = arith.ori %eq3A_455, %eq3A_458 : vector<32x1024xi1>
    %jit3A_459 = arith.constant 0.000000e+00 : f32
    %broadcast_in_dim3A_460 = vector.broadcast %jit3A_459 : f32 to vector<32x1024xf32>
    %select_n3A_461 = arith.select %or3A, %div3A_445, %broadcast_in_dim3A_460 : vector<32x1024xi1>, vector<32x1024xf32>
    %reduce_sum3A_462 = arith.constant dense<0.000000e+00> : vector<32xf32>
    %reduce_sum3A_463 = vector.multi_reduction <add>, %select_n3A_461, %reduce_sum3A_462 [1] : vector<32x1024xf32> to vector<32xf32>
    %broadcast_in_dim3A_464 = vector.shape_cast %reduce_sum3A_463 : vector<32xf32> to vector<32x1xf32>
    %mul3A_465 = arith.constant 5.000000e-01 : f32
    %mul3A_466 = vector.broadcast %mul3A_465 : f32 to vector<32x1xf32>
    %mul3A_467 = arith.mulf %broadcast_in_dim3A_464, %mul3A_466 : vector<32x1xf32>
    %sub3A_468 = arith.subf %mul3A_467, %add3A_451 : vector<32x1xf32>
    %reduce_sum3A_469 = vector.shape_cast %sub3A_468 : vector<32x1xf32> to vector<1x32x1xf32>
    %reduce_sum3A_470 = arith.constant dense<0.000000e+00> : vector<1xf32>
    %reduce_sum3A_471 = vector.multi_reduction <add>, %reduce_sum3A_469, %reduce_sum3A_470 [1, 2] : vector<1x32x1xf32> to vector<1xf32>
    %reduce_sum3A_472 = vector.shape_cast %reduce_sum3A_471 : vector<1xf32> to vector<1x1x1xf32>
    %reduce_sum3A_473 = vector.extract %reduce_sum3A_472[0, 0, 0] : f32 from vector<1x1x1xf32>
    %eq3A_474 = arith.constant 0 : i32
    %eq3A_475 = arith.cmpi eq, %arg0, %eq3A_474 : i32
    %get3A_476 = arith.constant 0 : index
    %get3A_477 = arith.constant 0 : index
    %get3A_478 = memref.load %arg5[%get3A_476, %get3A_477] : memref<1x1xf32, #tpu.memory_space<smem>>
    %jit3A_479 = arith.constant 0.000000e+00 : f32
    %select_n3A_480 = arith.select %eq3A_475, %jit3A_479, %get3A_478 : f32
    %add3A_481 = arith.addf %select_n3A_480, %reduce_sum3A_473 : f32
    %eq3A_482 = arith.constant 7 : i32
    %eq3A_483 = arith.cmpi eq, %arg0, %eq3A_482 : i32
    %neg3A = arith.constant 0.000000e+00 : f32
    %neg3A_484 = arith.subf %neg3A, %add3A_481 : f32
    %mul3A_485 = arith.constant 3.906250e-03 : f32
    %mul3A_486 = arith.mulf %neg3A_484, %mul3A_485 : f32
    %select_n3A_487 = arith.select %eq3A_483, %mul3A_486, %add3A_481 : f32
    %swap3A = arith.constant 0 : index
    %swap3A_488 = arith.constant 0 : index
    %swap3A_489 = memref.load %arg5[%swap3A, %swap3A_488] : memref<1x1xf32, #tpu.memory_space<smem>>
    memref.store %select_n3A_487, %arg5[%swap3A, %swap3A_488] : memref<1x1xf32, #tpu.memory_space<smem>>
    return
  }
  func.func @transform_0(%arg0: i32) -> (i32, i32) {
    %c0_i32 = arith.constant 0 : i32
    %c0_i32_0 = arith.constant 0 : i32
    return %arg0, %c0_i32 : i32, i32
  }
  func.func @transform_1(%arg0: i32) -> (i32, i32) {
    %c0_i32 = arith.constant 0 : i32
    %c0_i32_0 = arith.constant 0 : i32
    %c0_i32_1 = arith.constant 0 : i32
    return %c0_i32, %c0_i32_0 : i32, i32
  }
  func.func @transform_2(%arg0: i32) -> (i32, i32) {
    %c0_i32 = arith.constant 0 : i32
    %c0_i32_0 = arith.constant 0 : i32
    %c0_i32_1 = arith.constant 0 : i32
    return %c0_i32, %c0_i32_0 : i32, i32
  }
  func.func @transform_3(%arg0: i32) -> (i32, i32) {
    %c0_i32 = arith.constant 0 : i32
    %c0_i32_0 = arith.constant 0 : i32
    %c0_i32_1 = arith.constant 0 : i32
    return %c0_i32, %c0_i32_0 : i32, i32
  }
  func.func @transform_4(%arg0: i32) -> (i32, i32) {
    %c0_i32 = arith.constant 0 : i32
    %c0_i32_0 = arith.constant 0 : i32
    %c0_i32_1 = arith.constant 0 : i32
    return %c0_i32, %c0_i32_0 : i32, i32
  }
}

</mosaic_0001>

<sc_bundles>
// kernel: kernel.5.cloned.1.call-start
scs
__scs_entry_jumppad:
0x0: {  	(pc) =	sbr.rel $0x88, $3  }
0x1: {  	(tag) =	ssettag $0x0;
	lr =	simm.s32 $0x1  }
0x2: {  	[smem:$0x3F9B] =	sst lr;
	_ =	strace $0xD0000000  }
0x3: {  	_ = 	snop  }
0x4: {  	_ = 	snop  }
0x5: {  	_ = 	snop  }
0x6: {  	_ = 	snop  }
0x7: {  	_ = 	snop  }
__scs_overlays_trampoline_lowered:
0x8: {  	[smem:$0x3FAA] =	sst s0  }
0x9: {  	[smem:$0x3FAB] =	sst s1  }
0xa: {  	[smem:$0x3FAC] =	sst s2  }
0xb: {  	[smem:$0x3FAD] =	sst s3  }
0xc: {  	[smem:$0x3FAE] =	sst s4  }
0xd: {  	[smem:$0x3FAF] =	sst s5  }
0xe: {  	[smem:$0x3FB0] =	sst s6  }
0xf: {  	[smem:$0x3FB1] =	sst s7  }
0x10: {  	[smem:$0x3FB2] =	sst s8  }
0x11: {  	[smem:$0x3FB3] =	sst s9;
	s0 =	simm.s32 @!p0 $0x0  }
0x12: {  	s1 =	sld [smem:$0x3F99];
	s0 =	simm.s32 @p0 $0x1  }
0x13: {  	[smem:$0x3FB4] =	sst s0;
	s0 =	simm.s32 @!p1 $0x0  }
0x14: {  	s2 =	sld [smem:$0x3F98];
	s0 =	simm.s32 @p1 $0x1  }
0x15: {  	[smem:$0x3FB5] =	sst s0;
	s0 =	simm.s32 @!p2 $0x0  }
0x16: {  	s3 =	sld [smem:$0x3FDB];
	s0 =	simm.s32 @p2 $0x1  }
0x17: {  	s4 =	simm.s32 $0x1BF5;
	[smem:$0x3FB7] =	sst s0  }
0x18: {  	s0 =	sld [smem:$0x3F9A];
	_ =	swait.ge [sflag:s4], $0x0  }
0x19: {  	s7 =	sld [smem:$0x3F9B]  }
0x1a: {  	s8 =	sadd.s32 $0xFFFFE003, lr  }
0x1b: {  	s9 =	sadd.s32 $0xFFFFFEF7, lr;
	s5 =	simm.s32 $0xFFFFFFFF;
	p2 =	slt.u32 s8, $0xFFFFF086  }
0x1c: {  	p1 =	slt.u32 s9, $0xF7A;
	s5 =	simm.s32 @!p2 $0x0  }
0x1d: {  	s5 =	simm.s32 @p1 $0x1;
	p0 =	seq.s32 s7, s2  }
0x1e: {  	s7 =	smul.u32 @!p0 $0xF7A, s2;
	p2 =	seq.s32 @!p0 s5, $0x0  }
0x1f: {  	s9 =	smul.u32 $0xF7A, s1;
	s8 =	simm.s32 @!p0 $0x1BF5;
	p2 =	por !p2, p0  }
0x20: {  	[sflag:s8] =	ssyncset.s32 @!p0 $0xFFFFF086;
	s6 =	sadd.s32 @!p0 s3, s7;
	s7 =	simm.s32 @!p0 $0x108  }
0x21: {  	s3 =	sadd.s32 s3, s9;
	s6 =	sadd.s32 @!p0 $0x88, s6;
	s7 =	simm.s32 @p2 $0x1082  }
0x22: {  	[simem:s7], [sflag:s8] =	dma.local @!p0 [hbm:s6], $0xF7A  }
0x23: {  	s9 =	sor.u32 $0xD0000000, s2;
	s6 =	simm.s32 $0x108;
	_ =	swait.ge @!p0 [sflag:s8], $0x0  }
0x24: {  	s3 =	sadd.s32 $0x88, s3;
	s6 =	simm.s32 @!p1 $0x1082;
	[sflag:s4] =	ssyncset.s32 $0xFFFFF086  }
0x25: {  	[simem:s6], [sflag:s4] =	dma.local [hbm:s3], $0xF7A  }
0x26: {  	[smem:$0x3F9B] =	sst s1;
	(tag) =	ssettag s2;
	_ =	strace s9  }
0x27: {  	s1 =	sld [smem:$0x3FAB]  }
0x28: {  	s2 =	sld [smem:$0x3FAC]  }
0x29: {  	s4 =	sld [smem:$0x3FAE]  }
0x2a: {  	p0 =	seq.s32 s5, $0x0;
	s5 =	sld [smem:$0x3FAF]  }
0x2b: {  	s6 =	sld [smem:$0x3FB0]  }
0x2c: {  	s7 =	sld [smem:$0x3FB1]  }
0x2d: {  	s3 =	simm.s32 $0x108;
	s8 =	sld [smem:$0x3FB2]  }
0x2e: {  	s3 =	simm.s32 @!p0 $0x1082;
	s9 =	sld [smem:$0x3FB3]  }
0x2f: {  	lr =	sadd.s32 s0, s3;
	s0 =	sld [smem:$0x3FAA]  }
0x30: {  	s3 =	sld [smem:$0x3FAD]  }
0x31: {  	[smem:$0x3FB6] =	sst s10  }
0x32: {  	s10 =	sld [smem:$0x3FB4];
	_ =	sdelay $0x3  }
0x33: {  	p0 =	seq.s32 s10, $0x1;
	s10 =	sld [smem:$0x3FB6];
	_ =	sdelay $0x3  }
0x34: {  	[smem:$0x3FB6] =	sst s10  }
0x35: {  	s10 =	sld [smem:$0x3FB5];
	_ =	sdelay $0x3  }
0x36: {  	p1 =	seq.s32 s10, $0x1;
	s10 =	sld [smem:$0x3FB6];
	_ =	sdelay $0x3  }
0x37: {  	[smem:$0x3FB6] =	sst s10  }
0x38: {  	s10 =	sld [smem:$0x3FB7]  }
0x39: {  	_ = 	snop;
	(pc) =	sbr.ind lr, $3  }
0x3a: {  	_ = 	snop  }
0x3b: {  	_ = 	snop  }
0x3c: {  	p2 =	seq.s32 s10, $0x1;
	s10 =	sld [smem:$0x3FB6]  }
0x3d: {  	_ =	shalt  }
0x3e: {  	_ =	shalt  }
0x3f: {  	_ =	shalt  }
0x40: {  	_ =	shalt  }
0x41: {  	_ =	shalt  }
0x42: {  	_ =	shalt  }
0x43: {  	_ =	shalt  }
0x44: {  	_ =	shalt  }
0x45: {  	_ =	shalt  }
0x46: {  	_ =	shalt  }
0x47: {  	_ =	shalt  }
0x48: {  	_ =	shalt  }
0x49: {  	_ =	shalt  }
0x4a: {  	_ =	shalt  }
0x4b: {  	_ =	shalt  }
0x4c: {  	_ =	shalt  }
0x4d: {  	_ =	shalt  }
0x4e: {  	_ =	shalt  }
0x4f: {  	_ =	shalt  }
0x50: {  	_ =	shalt  }
0x51: {  	_ =	shalt  }
0x52: {  	_ =	shalt  }
0x53: {  	_ =	shalt  }
0x54: {  	_ =	shalt  }
0x55: {  	_ =	shalt  }
0x56: {  	_ =	shalt  }
0x57: {  	_ =	shalt  }
0x58: {  	_ =	shalt  }
0x59: {  	_ =	shalt  }
0x5a: {  	_ =	shalt  }
0x5b: {  	_ =	shalt  }
0x5c: {  	_ =	shalt  }
0x5d: {  	_ =	shalt  }
0x5e: {  	_ =	shalt  }
0x5f: {  	_ =	shalt  }
0x60: {  	_ =	shalt  }
0x61: {  	_ =	shalt  }
0x62: {  	_ =	shalt  }
0x63: {  	_ =	shalt  }
0x64: {  	_ =	shalt  }
0x65: {  	_ =	shalt  }
0x66: {  	_ =	shalt  }
0x67: {  	_ =	shalt  }
0x68: {  	_ =	shalt  }
0x69: {  	_ =	shalt  }
0x6a: {  	_ =	shalt  }
0x6b: {  	_ =	shalt  }
0x6c: {  	_ =	shalt  }
0x6d: {  	_ =	shalt  }
0x6e: {  	_ =	shalt  }
0x6f: {  	_ =	shalt  }
0x70: {  	_ =	shalt  }
0x71: {  	_ =	shalt  }
0x72: {  	_ =	shalt  }
0x73: {  	_ =	shalt  }
0x74: {  	_ =	shalt  }
0x75: {  	_ =	shalt  }
0x76: {  	_ =	shalt  }
0x77: {  	_ =	shalt  }
0x78: {  	_ =	shalt  }
0x79: {  	_ =	shalt  }
0x7a: {  	_ =	shalt  }
0x7b: {  	_ =	shalt  }
0x7c: {  	_ =	shalt  }
0x7d: {  	_ =	shalt  }
0x7e: {  	_ =	shalt  }
0x7f: {  	_ =	shalt  }
0x80: {  	_ =	shalt  }
0x81: {  	_ =	shalt  }
0x82: {  	_ =	shalt  }
0x83: {  	_ =	shalt  }
0x84: {  	_ =	shalt  }
0x85: {  	_ =	shalt  }
0x86: {  	_ =	shalt  }
0x87: {  	_ =	shalt  }
.Lfunc_end0:
.L_simem_size_0:
called_computation_lowered:
.L_overlay_start_0:
0x88: {  	s2 =	sld [smem:$0x3FD9]  }
0x89: {  	s3 =	sld [smem:$0x3FFE];
	_ =	sdelay $0x1  }
0x8a: {  	s1 =	srdreg.scid  }
0x8b: {  	s0 =	sand.u32 $0x1, s1  }
0x8c: {  	s17 =	sshll.u32 s0, $0xA;
	s2 =	sadd.s32 s3, s2  }
0x8d: {  	s2 =	sadd.s32 s2, s17  }
0x8e: {  	[smem:$0x3FC2] =	sst s2  }
0x8f: {  	_ = 	snop  }
0x90: {  	s2 =	sld [smem:$0x3FC4];
	(tm) =	ssettm $0x1  }
0x91: {  	s18 =	sld [smem:$0x3FFB];
	_ =	sdelay $0x3  }
0x92: {  	_ =	strace s18  }
0x93: {  	s3 =	sld [smem:$0x3FFC];
	_ =	sdelay $0x3  }
0x94: {  	_ =	strace s3  }
0x95: {  	s3 =	sld [smem:$0x3FFD];
	_ =	sdelay $0x3  }
0x96: {  	_ =	strace s3  }
0x97: {  	_ =	strace $0x8FFFFFFF  }
0x98: {  	s19 =	sld [smem:$0x3FDB];
	_ =	sdelay $0x1  }
0x99: {  	s4 =	simm.s32 $_scs_section_size  }
0x9a: {  	s5 =	simm.s32 $_size__tile_overlayer_lowered;
	s6 =	simm.s32 $_tile_overlayer_lowered  }
0x9b: {  	s22 =	simm.s32 $0x1BFF;
	s21 =	sshll.u32 s6, $0x1;
	s3 =	sadd.s32 s4, s19  }
0x9c: {  	s7 =	simm.s32 $0x0;
	s20 =	sshll.u32 s5, $0x1;
	s5 =	sadd.s32 s21, s3  }
0x9d: {  	[timem:s7], [sflag:s22] =	dma.local [hbm:s5], s20  }
0x9e: {  	_ =	swait.ge [sflag:s22], s20  }
0x9f: {  	s4 =	ssub.s32 $0x0, s20;
	[sflag:s22] =	ssyncset.done $0x0  }
0xa0: {  	[sflag:s22] =	ssyncadd.s32 s4;
	_ =	sdelay $0x1  }
0xa1: {  	s23 =	simm.s32 $0x1B8B  }
0xa2: {  	_ =	swait.ge [sflag:s23], $0x1  }
0xa3: {  	[sflag:s23] =	ssyncset.done $0x0  }
0xa4: {  	s25 =	simm.s32 $0x1B8E;
	s24 =	sld [smem:$0x3FFE];
	[sflag:s23] =	ssyncadd.s32 $0xFFFFFFFF  }
0xa5: {  	s26 =	simm.s32 $execute0_lowered;
	[smem:$0x3FD2] =	sst s25  }
0xa6: {  	s5 =	sshll.u32 s26, $0x1;
	_ =	strace $0x80000046;
	[dreg:$0x1] =	wrdreg $0xFFFFFFFF  }
0xa7: {  	s28 =	simm.s32 $_size_execute0_lowered;
	s3 =	sadd.s32 s3, s5;
	[dreg:$0x0] =	wrdreg $0x0  }
0xa8: {  	s5 =	sshll.u32 s28, $0x1;
	[dreg:$0x2] =	wrdreg s3  }
0xa9: {  	[dreg:$0x3] =	wrdreg s5  }
0xaa: {  	[dreg:$0x4] =	wrdreg $0xC0  }
0xab: {  	_ =	task [dreg:s7], $0x5FFFF  }
0xac: {  	[dreg:$0x1] =	wrdreg $0xFFFFFFFF  }
0xad: {  	[dreg:$0x0] =	wrdreg $0x60  }
0xae: {  	[dreg:$0x2] =	wrdreg s2  }
0xaf: {  	[dreg:$0x3] =	wrdreg s24  }
0xb0: {  	[dreg:$0x4] =	wrdreg $0x9  }
0xb1: {  	_ =	task.clear_ibuf [dreg:s7], $0x5FFFF;
	_ =	strace $0x90000046  }
0xb2: {  	s29 =	simm.s32 $0x9;
	_ =	strace $0x80000048  }
0xb3: {  	_ =	swait.ge [sflag:s29], $0x1  }
0xb4: {  	[sflag:s29] =	ssyncadd.s32 $0xFFFFFFFF  }
0xb5: {  	_ =	strace $0x90000048  }
0xb6: {  	_ =	sfence  }
0xb7: {  	s30 =	sld [smem:$0x0];
	_ =	sdelay $0x2  }
0xb8: {  	s31 =	sshll.u32 s1, $0xD;
	s1 =	sshrl.u32 s1, $0x2  }
0xb9: {  	s3 =	sand.u32 $0x4000, s31;
	s1 =	sadd.s32 s1, s30  }
0xba: {  	s0 =	sor.u32 s3, s0;
	s1 =	sshll.u32 s1, $0x11  }
0xbb: {  	s0 =	sor.u32 s1, s0  }
0xbc: {  	s0 =	sadd.s32 $0x8F2B, s0  }
0xbd: {  	[sflag:s0] =	ssyncadd.remote.s32 $0x1  }
0xbe: {  	_ =	sfence.sel $0xFFFF  }
0xbf: {  	[dreg:$0x0] =	wrdreg $0xFFFFFFFF;
	(pc) =	sbr.abs _section_cstart, $3  }
0xc0: {  	[dreg:$0x1] =	wrdreg $0xFFFFFFFF  }
0xc1: {  	_ =	task.clear_ibuf [dreg:s7], $0x2FFFF;
	_ =	strace $0x9FFFFFFF  }
0xc2: {  	(tm) =	ssettm $0x7FFFFFFF  }
0xc3: {  	_ =	shalt  }
tec
execute0_lowered:
.L_overlay_start_1:
0x0: {  	(tag) =	ssettag $0x1  }
0x1: {  	s2 =	rddreg [dreg:$0x0]  }
0x2: {  	s0 =	srdreg.scid;
	s12 =	stileid.u32  }
0x3: {  	s1 =	rddreg [dreg:$0x1];
	s3 =	simm.s32 $0x0;
	s19 =	simm.s32 $0x8  }
0x4: {  	s28 =	simm.s32 $0x800;
	s18 =	simm.s32 $0x4800;
	s22 =	simm.s32 $0x6800  }
0x5: {  	s14 =	simm.s32 $0xA800;
	s15 =	simm.s32 $0xB000;
	s13 =	simm.s32 $0x2  }
0x6: {  	s29 =	simm.s32 $0x3;
	s30 =	simm.s32 $0x4;
	s31 =	simm.s32 $0x5  }
0x7: {  	s17 =	simm.s32 $0x0;
	s0 =	sand.u32 $0x1, s0;
	s4 =	sshll.u32 s12, $0x1  }
0x8: {  	[smem:$0x7FF] =	sst s3;
	s10 =	sadd.s32 $0x86E00, s1;
	s24 =	sshll.u32 s12, $0x12  }
0x9: {  	s12 =	simm.s32 $0x1;
	s6 =	sor.u32 s0, s4;
	_ =	strace $0x80000047  }
0xa: {  	s9 =	ssub.s32 $0x2, s0;
	s25 =	sadd.s32 s24, s10;
	s0 =	sshll.u32 s0, $0x11  }
0xb: {  	s24 =	simm.s32 $0x7800;
	s5 =	sshll.u32 s6, $0x9;
	s4 =	sshll.u32 s6, $0x8  }
0xc: {  	s11 =	sshrl.u32 s9, $0x1;
	s0 =	sadd.s32 s0, s25;
	s25 =	simm.s32 $0x8000  }
0xd: {  	s7 =	sand.u32 $0x1E00, s5;
	s8 =	sadd.s32 s4, s1;
	s4 =	sadd.s32 $0x4E00, s1  }
0xe: {  	s9 =	ssub.s32 s9, s11;
	[dreg:$0x3] =	wrdreg s0;
	s11 =	simm.s32 $0xC000  }
0xf: {  	s0 =	simm.s32 $0x7;
	s7 =	sadd.s32 s7, s1;
	s1 =	sadd.s32 s5, s1  }
0x10: {  	s5 =	sshll.u32 s6, $0x3;
	s23 =	sadd.s32 $0x2E00, s8;
	s6 =	sshll.u32 s6, $0x11  }
0x11: {  	s8 =	sadd.s32 $0x100, s2;
	s26 =	smax.u32 s9, $0x1;
	s9 =	simm.s32 $0xA000  }
0x12: {  	s7 =	sadd.s32 $0xE00, s7;
	[dreg:$0x5] =	wrdreg s23;
	s6 =	sadd.s32 s6, s10  }
0x13: {  	s1 =	sadd.s32 $0x82E00, s1;
	[dreg:$0x8] =	wrdreg s26;
	s23 =	simm.s32 $0x7000  }
0x14: {  	v2 =	vlaneseq.u32;
	s26 =	simm.s32 $0x8800;
	s10 =	simm.s32 $0xB800;
	[dreg:$0x4] =	wrdreg s7  }
0x15: {  	vm0 =	vmmov $0xffff;
	v1 =	vshrl.u32 v2, $0x3;
	s6 =	sadd.s32 $0x1F800, s6;
	[dreg:$0x7] =	wrdreg s1;
	s7 =	simm.s32 $0x9800  }
0x16: {  	v0 =	vand.u32 $0x7, v2;
	v2 =	vor.u32 $0x8, v2;
	v1 =	vmul.u32 $0x8, v1;
	s1 =	simm.s32 $0x6;
	[dreg:$0x6] =	wrdreg s6;
	s6 =	simm.s32 $0x9000  }
.LBB2_1:
0x17: {  	[dreg:$0x9] =	wrdreg s17  }
0x18: {  	s16 =	simm.s32 $0xC800;
	s21 =	rddreg [dreg:$0x4]  }
0x19: {  	[tilespmem:s16], [sflag:$0x8] =	stream.linear.gather [hbm4b:s21+s3], $0x1000, $0x38;
	[tilespmem:$0xF800] =	vst v63  }
0x1a: {  	_ =	swait.ge [sflag:s19], $0x1000  }
0x1b: {  	[sflag:s19] =	ssyncset.done $0x0  }
0x1c: {  	[sflag:s19] =	ssyncadd.s32 $0xFFFFF000  }
0x1d: {  	v3 =	vld [tilespmem:s16+$0x0];
	_ =	sdelay $0x1  }
0x1e: {  	s20 =	sadd.s32 $0x0, s5  }
0x1f: {  	s16 =	smul.u32 $0x3F00, s20;
	_ =	sdelay $0x1  }
0x20: {  	s21 =	simm.s32 $0xD800;
	v3 =	vadd.s32 s16, v3  }
0x21: {  	s17 =	simm.s32 $0xC810;
	[tilespmem:s21+$0x0] =	vst v3  }
0x22: {  	s19 =	simm.s32 $0x1;
	s20 =	simm.s32 $0x2;
	s16 =	simm.s32 $0xD800;
	v3 =	vld [tilespmem:s17+$0x0]  }
.LBB2_2:
0x23: {  	s21 =	sshrl.u32 s19, $0x5  }
0x24: {  	p0 =	sne.s32 s20, $0xFF;
	s19 =	smov.u32 s20;
	s21 =	sadd.s32 s5, s21  }
0x25: {  	s21 =	smul.u32 $0x3F00, s21  }
.Ltmp0:
0x26: {  	(pc) =	sbr.rel @p0 .LBB2_2-.Ltmp0, $4  }
0x27: {  	_ = 	snop  }
0x28: {  	s16 =	sadd.s32 $0x10, s16;
	v3 =	vadd.s32 s21, v3  }
0x29: {  	s17 =	sadd.s32 $0x10, s17;
	[tilespmem:s16+$0x0] =	vst v3  }
0x2a: {  	s20 =	sadd.s32 $0x1, s20;
	v3 =	vld [tilespmem:s17+$0x0]  }
0x2b: {  	s17 =	sshrl.u32 s19, $0x5  }
0x2c: {  	s17 =	sadd.s32 s5, s17  }
0x2d: {  	s17 =	smul.u32 $0x3F00, s17;
	_ =	sdelay $0x1  }
0x2e: {  	s16 =	sadd.s32 $0x10, s16;
	v3 =	vadd.s32 s17, v3  }
0x2f: {  	s20 =	simm.s32 $0xD800;
	s21 =	simm.s32 $0xE800;
	[tilespmem:s16+$0x0] =	vst v3;
	s16 =	simm.s32 $0x80  }
0x30: {  	[tilespmem:s21], [sflag:$0x7] =	stream.indirect.gather [hbm4b:s4+s16], $0x1, s20, s16, $0xb8;
	[tilespmem:$0xF800] =	vst v63  }
0x31: {  	s20 =	simm.s32 $0xD880;
	s21 =	simm.s32 $0xEC00  }
0x32: {  	[tilespmem:s21], [sflag:$0x7] =	stream.indirect.gather [hbm4b:s4+s16], $0x1, s20, s16, $0xb8;
	[tilespmem:$0xF800] =	vst v63  }
0x33: {  	s20 =	simm.s32 $0xD900;
	s21 =	simm.s32 $0xF000  }
0x34: {  	[tilespmem:s21], [sflag:$0x7] =	stream.indirect.gather [hbm4b:s4+s16], $0x1, s20, s16, $0xb8;
	[tilespmem:$0xF800] =	vst v63  }
0x35: {  	s20 =	simm.s32 $0xD980;
	s21 =	simm.s32 $0xF400  }
0x36: {  	[tilespmem:s21], [sflag:$0x7] =	stream.indirect.gather [hbm4b:s4+s16], $0x1, s20, s16, $0xb8;
	[tilespmem:$0xF800] =	vst v63  }
0x37: {  	s20 =	simm.s32 $0xDA00;
	s21 =	simm.s32 $0xE880  }
0x38: {  	[tilespmem:s21], [sflag:$0x7] =	stream.indirect.gather [hbm4b:s4+s16], $0x1, s20, s16, $0xb8;
	[tilespmem:$0xF800] =	vst v63  }
0x39: {  	s20 =	simm.s32 $0xDA80;
	s21 =	simm.s32 $0xEC80  }
0x3a: {  	[tilespmem:s21], [sflag:$0x7] =	stream.indirect.gather [hbm4b:s4+s16], $0x1, s20, s16, $0xb8;
	[tilespmem:$0xF800] =	vst v63  }
0x3b: {  	s20 =	simm.s32 $0xDB00;
	s21 =	simm.s32 $0xF080  }
0x3c: {  	[tilespmem:s21], [sflag:$0x7] =	stream.indirect.gather [hbm4b:s4+s16], $0x1, s20, s16, $0xb8;
	[tilespmem:$0xF800] =	vst v63  }
0x3d: {  	s20 =	simm.s32 $0xDB80;
	s21 =	simm.s32 $0xF480  }
0x3e: {  	[tilespmem:s21], [sflag:$0x7] =	stream.indirect.gather [hbm4b:s4+s16], $0x1, s20, s16, $0xb8;
	[tilespmem:$0xF800] =	vst v63  }
0x3f: {  	s20 =	simm.s32 $0xDC00;
	s21 =	simm.s32 $0xE900  }
0x40: {  	[tilespmem:s21], [sflag:$0x7] =	stream.indirect.gather [hbm4b:s4+s16], $0x1, s20, s16, $0xb8;
	[tilespmem:$0xF800] =	vst v63  }
0x41: {  	s20 =	simm.s32 $0xDC80;
	s21 =	simm.s32 $0xED00  }
0x42: {  	[tilespmem:s21], [sflag:$0x7] =	stream.indirect.gather [hbm4b:s4+s16], $0x1, s20, s16, $0xb8;
	[tilespmem:$0xF800] =	vst v63  }
0x43: {  	s20 =	simm.s32 $0xDD00;
	s21 =	simm.s32 $0xF100  }
0x44: {  	[tilespmem:s21], [sflag:$0x7] =	stream.indirect.gather [hbm4b:s4+s16], $0x1, s20, s16, $0xb8;
	[tilespmem:$0xF800] =	vst v63  }
0x45: {  	s20 =	simm.s32 $0xDD80;
	s21 =	simm.s32 $0xF500  }
0x46: {  	[tilespmem:s21], [sflag:$0x7] =	stream.indirect.gather [hbm4b:s4+s16], $0x1, s20, s16, $0xb8;
	[tilespmem:$0xF800] =	vst v63  }
0x47: {  	s20 =	simm.s32 $0xDE00;
	s21 =	simm.s32 $0xE980  }
0x48: {  	[tilespmem:s21], [sflag:$0x7] =	stream.indirect.gather [hbm4b:s4+s16], $0x1, s20, s16, $0xb8;
	[tilespmem:$0xF800] =	vst v63  }
0x49: {  	s20 =	simm.s32 $0xDE80;
	s21 =	simm.s32 $0xED80  }
0x4a: {  	[tilespmem:s21], [sflag:$0x7] =	stream.indirect.gather [hbm4b:s4+s16], $0x1, s20, s16, $0xb8;
	[tilespmem:$0xF800] =	vst v63  }
0x4b: {  	s20 =	simm.s32 $0xDF00;
	s21 =	simm.s32 $0xF180  }
0x4c: {  	[tilespmem:s21], [sflag:$0x7] =	stream.indirect.gather [hbm4b:s4+s16], $0x1, s20, s16, $0xb8;
	[tilespmem:$0xF800] =	vst v63  }
0x4d: {  	s20 =	simm.s32 $0xDF80;
	s21 =	simm.s32 $0xF580  }
0x4e: {  	[tilespmem:s21], [sflag:$0x7] =	stream.indirect.gather [hbm4b:s4+s16], $0x1, s20, s16, $0xb8;
	[tilespmem:$0xF800] =	vst v63  }
0x4f: {  	s20 =	simm.s32 $0xE000;
	s21 =	simm.s32 $0xEA00  }
0x50: {  	[tilespmem:s21], [sflag:$0x7] =	stream.indirect.gather [hbm4b:s4+s16], $0x1, s20, s16, $0xb8;
	[tilespmem:$0xF800] =	vst v63  }
0x51: {  	s20 =	simm.s32 $0xE080;
	s21 =	simm.s32 $0xEE00  }
0x52: {  	[tilespmem:s21], [sflag:$0x7] =	stream.indirect.gather [hbm4b:s4+s16], $0x1, s20, s16, $0xb8;
	[tilespmem:$0xF800] =	vst v63  }
0x53: {  	s20 =	simm.s32 $0xE100;
	s21 =	simm.s32 $0xF200  }
0x54: {  	[tilespmem:s21], [sflag:$0x7] =	stream.indirect.gather [hbm4b:s4+s16], $0x1, s20, s16, $0xb8;
	[tilespmem:$0xF800] =	vst v63  }
0x55: {  	s20 =	simm.s32 $0xE180;
	s21 =	simm.s32 $0xF600  }
0x56: {  	[tilespmem:s21], [sflag:$0x7] =	stream.indirect.gather [hbm4b:s4+s16], $0x1, s20, s16, $0xb8;
	[tilespmem:$0xF800] =	vst v63  }
0x57: {  	s20 =	simm.s32 $0xE200;
	s21 =	simm.s32 $0xEA80  }
0x58: {  	[tilespmem:s21], [sflag:$0x7] =	stream.indirect.gather [hbm4b:s4+s16], $0x1, s20, s16, $0xb8;
	[tilespmem:$0xF800] =	vst v63  }
0x59: {  	s20 =	simm.s32 $0xE280;
	s21 =	simm.s32 $0xEE80  }
0x5a: {  	[tilespmem:s21], [sflag:$0x7] =	stream.indirect.gather [hbm4b:s4+s16], $0x1, s20, s16, $0xb8;
	[tilespmem:$0xF800] =	vst v63  }
0x5b: {  	s20 =	simm.s32 $0xE300;
	s21 =	simm.s32 $0xF280  }
0x5c: {  	[tilespmem:s21], [sflag:$0x7] =	stream.indirect.gather [hbm4b:s4+s16], $0x1, s20, s16, $0xb8;
	[tilespmem:$0xF800] =	vst v63  }
0x5d: {  	s20 =	simm.s32 $0xE380;
	s21 =	simm.s32 $0xF680  }
0x5e: {  	[tilespmem:s21], [sflag:$0x7] =	stream.indirect.gather [hbm4b:s4+s16], $0x1, s20, s16, $0xb8;
	[tilespmem:$0xF800] =	vst v63  }
0x5f: {  	s20 =	simm.s32 $0xE400;
	s21 =	simm.s32 $0xEB00  }
0x60: {  	[tilespmem:s21], [sflag:$0x7] =	stream.indirect.gather [hbm4b:s4+s16], $0x1, s20, s16, $0xb8;
	[tilespmem:$0xF800] =	vst v63  }
0x61: {  	s20 =	simm.s32 $0xE480;
	s21 =	simm.s32 $0xEF00  }
0x62: {  	[tilespmem:s21], [sflag:$0x7] =	stream.indirect.gather [hbm4b:s4+s16], $0x1, s20, s16, $0xb8;
	[tilespmem:$0xF800] =	vst v63  }
0x63: {  	s20 =	simm.s32 $0xE500;
	s21 =	simm.s32 $0xF300  }
0x64: {  	[tilespmem:s21], [sflag:$0x7] =	stream.indirect.gather [hbm4b:s4+s16], $0x1, s20, s16, $0xb8;
	[tilespmem:$0xF800] =	vst v63  }
0x65: {  	s20 =	simm.s32 $0xE580;
	s21 =	simm.s32 $0xF700  }
0x66: {  	[tilespmem:s21], [sflag:$0x7] =	stream.indirect.gather [hbm4b:s4+s16], $0x1, s20, s16, $0xb8;
	[tilespmem:$0xF800] =	vst v63  }
0x67: {  	s20 =	simm.s32 $0xE600;
	s21 =	simm.s32 $0xEB80  }
0x68: {  	[tilespmem:s21], [sflag:$0x7] =	stream.indirect.gather [hbm4b:s4+s16], $0x1, s20, s16, $0xb8;
	[tilespmem:$0xF800] =	vst v63  }
0x69: {  	s20 =	simm.s32 $0xE680;
	s21 =	simm.s32 $0xEF80  }
0x6a: {  	[tilespmem:s21], [sflag:$0x7] =	stream.indirect.gather [hbm4b:s4+s16], $0x1, s20, s16, $0xb8;
	[tilespmem:$0xF800] =	vst v63  }
0x6b: {  	s20 =	simm.s32 $0xE700;
	s21 =	simm.s32 $0xF380  }
0x6c: {  	[tilespmem:s21], [sflag:$0x7] =	stream.indirect.gather [hbm4b:s4+s16], $0x1, s20, s16, $0xb8;
	[tilespmem:$0xF800] =	vst v63  }
0x6d: {  	s20 =	simm.s32 $0xE780;
	s21 =	simm.s32 $0xF780  }
0x6e: {  	[tilespmem:s21], [sflag:$0x7] =	stream.indirect.gather [hbm4b:s4+s16], $0x1, s20, s16, $0xb8;
	[tilespmem:$0xF800] =	vst v63  }
0x6f: {  	s19 =	rddreg [dreg:$0x5];
	s16 =	simm.s32 $0x0;
	s20 =	simm.s32 $0x8  }
0x70: {  	[tilespmem:s16], [sflag:$0x8] =	stream.linear.gather [hbm4b:s19+s16], $0x800, $0x38;
	[tilespmem:$0xF800] =	vst v63  }
0x71: {  	_ =	swait.ge [sflag:s20], $0x800  }
0x72: {  	[sflag:s20] =	ssyncset.done $0x0  }
0x73: {  	[sflag:s20] =	ssyncadd.s32 $0xFFFFF800  }
0x74: {  	v3 =	vld [tilespmem:$0x0];
	_ =	sdelay $0x4  }
0x75: {  	v4 =	vshll.u32 v3, $0x2  }
0x76: {  	v3 =	vand.u32 $0x7, v3;
	v4 =	vand.u32 $0xFFFFFFE0, v4  }
0x77: {  	v3 =	vor.u32 v3, v4  }
0x78: {  	v4 =	vperm.xlane v3, v0;
	_ =	sdelay $0x1  }
0x79: {  	v4 =	vadd.s32 v1, v4;
	_ =	sdelay $0x1  }
0x7a: {  	v3 =	vperm.xlane v3, v2;
	_ =	sdelay $0x1  }
0x7b: {  	v3 =	vadd.s32 v1, v3  }
0x7c: {  	[tilespmem:s28], [sflag:$0x1] =	stream.indirect_vreg.gather [hbm4b:s2+s16], $0x80, v4, vm0, $0xb8;
	[tilespmem:$0xF800] =	vst v63  }
0x7d: {  	s21 =	simm.s32 $0x1000  }
0x7e: {  	[tilespmem:s21], [sflag:$0x1] =	stream.indirect_vreg.gather [hbm4b:s8+s16], $0x80, v4, vm0, $0xb8;
	[tilespmem:$0xF800] =	vst v63  }
0x7f: {  	s19 =	simm.s32 $0x1800  }
0x80: {  	[tilespmem:s19], [sflag:$0x1] =	stream.indirect_vreg.gather [hbm4b:s2+s16], $0x80, v3, vm0, $0xb8;
	[tilespmem:$0xF800] =	vst v63  }
0x81: {  	s20 =	simm.s32 $0x2000  }
0x82: {  	[tilespmem:s20], [sflag:$0x1] =	stream.indirect_vreg.gather [hbm4b:s8+s16], $0x80, v3, vm0, $0xb8;
	[tilespmem:$0xF800] =	vst v63  }
0x83: {  	v3 =	vld [tilespmem:$0x10];
	_ =	sdelay $0x4  }
0x84: {  	v59 =	vshll.u32 v3, $0x2  }
0x85: {  	v3 =	vand.u32 $0x7, v3;
	v4 =	vand.u32 $0xFFFFFFE0, v59  }
0x86: {  	v3 =	vor.u32 v3, v4  }
0x87: {  	v4 =	vperm.xlane v3, v0;
	_ =	sdelay $0x1  }
0x88: {  	v4 =	vadd.s32 v1, v4;
	_ =	sdelay $0x1  }
0x89: {  	v3 =	vperm.xlane v3, v2;
	_ =	sdelay $0x1  }
0x8a: {  	s21 =	simm.s32 $0x2800;
	v3 =	vadd.s32 v1, v3  }
0x8b: {  	[tilespmem:s21], [sflag:$0x1] =	stream.indirect_vreg.gather [hbm4b:s2+s16], $0x80, v4, vm0, $0xb8;
	[tilespmem:$0xF800] =	vst v63  }
0x8c: {  	s19 =	simm.s32 $0x3000  }
0x8d: {  	[tilespmem:s19], [sflag:$0x1] =	stream.indirect_vreg.gather [hbm4b:s8+s16], $0x80, v4, vm0, $0xb8;
	[tilespmem:$0xF800] =	vst v63  }
0x8e: {  	s20 =	simm.s32 $0x3800  }
0x8f: {  	[tilespmem:s20], [sflag:$0x1] =	stream.indirect_vreg.gather [hbm4b:s2+s16], $0x80, v3, vm0, $0xb8;
	[tilespmem:$0xF800] =	vst v63  }
0x90: {  	s21 =	simm.s32 $0x4000  }
0x91: {  	[tilespmem:s21], [sflag:$0x1] =	stream.indirect_vreg.gather [hbm4b:s8+s16], $0x80, v3, vm0, $0xb8;
	[tilespmem:$0xF800] =	vst v63  }
0x92: {  	v3 =	vld [tilespmem:$0x20];
	_ =	sdelay $0x4  }
0x93: {  	v60 =	vshll.u32 v3, $0x2  }
0x94: {  	v3 =	vand.u32 $0x7, v3;
	v4 =	vand.u32 $0xFFFFFFE0, v60  }
0x95: {  	v3 =	vor.u32 v3, v4  }
0x96: {  	v4 =	vperm.xlane v3, v0;
	_ =	sdelay $0x1  }
0x97: {  	v4 =	vadd.s32 v1, v4;
	_ =	sdelay $0x1  }
0x98: {  	v3 =	vperm.xlane v3, v2;
	_ =	sdelay $0x1  }
0x99: {  	v3 =	vadd.s32 v1, v3  }
0x9a: {  	[tilespmem:s18], [sflag:$0x2] =	stream.indirect_vreg.gather [hbm4b:s2+s16], $0x80, v4, vm0, $0xb8;
	[tilespmem:$0xF800] =	vst v63  }
0x9b: {  	s19 =	simm.s32 $0x5000  }
0x9c: {  	[tilespmem:s19], [sflag:$0x2] =	stream.indirect_vreg.gather [hbm4b:s8+s16], $0x80, v4, vm0, $0xb8;
	[tilespmem:$0xF800] =	vst v63  }
0x9d: {  	s20 =	simm.s32 $0x5800  }
0x9e: {  	[tilespmem:s20], [sflag:$0x2] =	stream.indirect_vreg.gather [hbm4b:s2+s16], $0x80, v3, vm0, $0xb8;
	[tilespmem:$0xF800] =	vst v63  }
0x9f: {  	s21 =	simm.s32 $0x6000  }
0xa0: {  	[tilespmem:s21], [sflag:$0x2] =	stream.indirect_vreg.gather [hbm4b:s8+s16], $0x80, v3, vm0, $0xb8;
	[tilespmem:$0xF800] =	vst v63  }
0xa1: {  	v3 =	vld [tilespmem:$0x30];
	_ =	sdelay $0x4  }
0xa2: {  	v61 =	vshll.u32 v3, $0x2  }
0xa3: {  	v3 =	vand.u32 $0x7, v3;
	v4 =	vand.u32 $0xFFFFFFE0, v61  }
0xa4: {  	v3 =	vor.u32 v3, v4  }
0xa5: {  	v4 =	vperm.xlane v3, v0;
	_ =	sdelay $0x1  }
0xa6: {  	v4 =	vadd.s32 v1, v4;
	_ =	sdelay $0x1  }
0xa7: {  	v3 =	vperm.xlane v3, v2;
	_ =	sdelay $0x1  }
0xa8: {  	v3 =	vadd.s32 v1, v3  }
0xa9: {  	[tilespmem:s22], [sflag:$0x2] =	stream.indirect_vreg.gather [hbm4b:s2+s16], $0x80, v4, vm0, $0xb8;
	[tilespmem:$0xF800] =	vst v63  }
0xaa: {  	_ = 	snop  }
0xab: {  	[tilespmem:s23], [sflag:$0x2] =	stream.indirect_vreg.gather [hbm4b:s8+s16], $0x80, v4, vm0, $0xb8;
	[tilespmem:$0xF800] =	vst v63  }
0xac: {  	_ = 	snop  }
0xad: {  	[tilespmem:s24], [sflag:$0x2] =	stream.indirect_vreg.gather [hbm4b:s2+s16], $0x80, v3, vm0, $0xb8;
	[tilespmem:$0xF800] =	vst v63  }
0xae: {  	_ = 	snop  }
0xaf: {  	[tilespmem:s25], [sflag:$0x2] =	stream.indirect_vreg.gather [hbm4b:s8+s16], $0x80, v3, vm0, $0xb8;
	[tilespmem:$0xF800] =	vst v63  }
0xb0: {  	v3 =	vld [tilespmem:$0x40];
	_ =	sdelay $0x4  }
0xb1: {  	v62 =	vshll.u32 v3, $0x2  }
0xb2: {  	v3 =	vand.u32 $0x7, v3;
	v4 =	vand.u32 $0xFFFFFFE0, v62  }
0xb3: {  	v3 =	vor.u32 v3, v4  }
0xb4: {  	v4 =	vperm.xlane v3, v0;
	_ =	sdelay $0x1  }
0xb5: {  	v4 =	vadd.s32 v1, v4;
	_ =	sdelay $0x1  }
0xb6: {  	v3 =	vperm.xlane v3, v2;
	_ =	sdelay $0x1  }
0xb7: {  	v3 =	vadd.s32 v1, v3  }
0xb8: {  	[tilespmem:s26], [sflag:$0x3] =	stream.indirect_vreg.gather [hbm4b:s2+s16], $0x80, v4, vm0, $0xb8;
	[tilespmem:$0xF800] =	vst v63  }
0xb9: {  	_ = 	snop  }
0xba: {  	[tilespmem:s6], [sflag:$0x3] =	stream.indirect_vreg.gather [hbm4b:s8+s16], $0x80, v4, vm0, $0xb8;
	[tilespmem:$0xF800] =	vst v63  }
0xbb: {  	_ = 	snop  }
0xbc: {  	[tilespmem:s7], [sflag:$0x3] =	stream.indirect_vreg.gather [hbm4b:s2+s16], $0x80, v3, vm0, $0xb8;
	[tilespmem:$0xF800] =	vst v63  }
0xbd: {  	_ = 	snop  }
0xbe: {  	[tilespmem:s9], [sflag:$0x3] =	stream.indirect_vreg.gather [hbm4b:s8+s16], $0x80, v3, vm0, $0xb8;
	[tilespmem:$0xF800] =	vst v63  }
0xbf: {  	v3 =	vld [tilespmem:$0x50];
	_ =	sdelay $0x4  }
0xc0: {  	v63 =	vshll.u32 v3, $0x2  }
0xc1: {  	v3 =	vand.u32 $0x7, v3;
	v4 =	vand.u32 $0xFFFFFFE0, v63  }
0xc2: {  	v3 =	vor.u32 v3, v4  }
0xc3: {  	v4 =	vperm.xlane v3, v0;
	_ =	sdelay $0x1  }
0xc4: {  	v4 =	vadd.s32 v1, v4;
	_ =	sdelay $0x1  }
0xc5: {  	v3 =	vperm.xlane v3, v2;
	_ =	sdelay $0x1  }
0xc6: {  	v3 =	vadd.s32 v1, v3  }
0xc7: {  	[tilespmem:s14], [sflag:$0x3] =	stream.indirect_vreg.gather [hbm4b:s2+s16], $0x80, v4, vm0, $0xb8;
	[tilespmem:$0xF800] =	vst v63  }
0xc8: {  	_ = 	snop  }
0xc9: {  	[tilespmem:s15], [sflag:$0x3] =	stream.indirect_vreg.gather [hbm4b:s8+s16], $0x80, v4, vm0, $0xb8;
	[tilespmem:$0xF800] =	vst v63  }
0xca: {  	_ = 	snop  }
0xcb: {  	[tilespmem:s10], [sflag:$0x3] =	stream.indirect_vreg.gather [hbm4b:s2+s16], $0x80, v3, vm0, $0xb8;
	[tilespmem:$0xF800] =	vst v63  }
0xcc: {  	s17 =	simm.s32 $0x70;
	s19 =	simm.s32 $0x0  }
0xcd: {  	[tilespmem:s11], [sflag:$0x3] =	stream.indirect_vreg.gather [hbm4b:s8+s16], $0x80, v3, vm0, $0xb8;
	[tilespmem:$0xF800] =	vst v63  }
.LBB2_4:
0xce: {  	_ =	swait.ge [sflag:s12], $0x4000  }
0xcf: {  	s20 =	rddreg [dreg:$0x3];
	[sflag:s12] =	ssyncset.done $0x0  }
0xd0: {  	[sflag:s12] =	ssyncadd.s32 $0xFFFFC000;
	s20 =	sadd.s32 s19, s20  }
0xd1: {  	[hbm4b:s20+s3] =	stream.linear.scatter [tilespmem:s28], [sflag:$0x4], $0x4000, $0x38;
	[tilespmem:$0xF800] =	vst v63  }
0xd2: {  	_ =	swait.ge [sflag:s13], $0x4000  }
0xd3: {  	[sflag:s13] =	ssyncset.done $0x0  }
0xd4: {  	s21 =	sadd.s32 $0x800, s20;
	[sflag:s13] =	ssyncadd.s32 $0xFFFFC000  }
0xd5: {  	[hbm4b:s21+s3] =	stream.linear.scatter [tilespmem:s18], [sflag:$0x5], $0x4000, $0x38;
	[tilespmem:$0xF800] =	vst v63  }
0xd6: {  	_ =	swait.ge [sflag:s29], $0x4000  }
0xd7: {  	[sflag:s29] =	ssyncset.done $0x0  }
0xd8: {  	s20 =	sadd.s32 $0x1000, s20;
	[sflag:s29] =	ssyncadd.s32 $0xFFFFC000  }
0xd9: {  	[hbm4b:s20+s3] =	stream.linear.scatter [tilespmem:s26], [sflag:$0x6], $0x4000, $0x38;
	[tilespmem:$0xF800] =	vst v63  }
0xda: {  	_ =	swait.ge [sflag:s30], $0x4000  }
0xdb: {  	[sflag:s30] =	ssyncset.done $0x0  }
0xdc: {  	[sflag:s30] =	ssyncadd.s32 $0xFFFFC000  }
0xdd: {  	v3 =	vld [tilespmem:s17+$0xFFFFFFF0];
	_ =	sdelay $0x4  }
0xde: {  	v4 =	vshll.u32 v3, $0x2  }
0xdf: {  	v3 =	vand.u32 $0x7, v3;
	v4 =	vand.u32 $0xFFFFFFE0, v4  }
0xe0: {  	v3 =	vor.u32 v3, v4  }
0xe1: {  	v4 =	vperm.xlane v3, v0;
	_ =	sdelay $0x1  }
0xe2: {  	v4 =	vadd.s32 v1, v4;
	_ =	sdelay $0x1  }
0xe3: {  	v3 =	vperm.xlane v3, v2;
	_ =	sdelay $0x1  }
0xe4: {  	v3 =	vadd.s32 v1, v3  }
0xe5: {  	[tilespmem:s28], [sflag:$0x1] =	stream.indirect_vreg.gather [hbm4b:s2+s3], $0x80, v4, vm0, $0xb8;
	[tilespmem:$0xF800] =	vst v63  }
0xe6: {  	s21 =	simm.s32 $0x1000  }
0xe7: {  	[tilespmem:s21], [sflag:$0x1] =	stream.indirect_vreg.gather [hbm4b:s8+s3], $0x80, v4, vm0, $0xb8;
	[tilespmem:$0xF800] =	vst v63  }
0xe8: {  	s20 =	simm.s32 $0x1800  }
0xe9: {  	[tilespmem:s20], [sflag:$0x1] =	stream.indirect_vreg.gather [hbm4b:s2+s3], $0x80, v3, vm0, $0xb8;
	[tilespmem:$0xF800] =	vst v63  }
0xea: {  	s21 =	simm.s32 $0x2000  }
0xeb: {  	[tilespmem:s21], [sflag:$0x1] =	stream.indirect_vreg.gather [hbm4b:s8+s3], $0x80, v3, vm0, $0xb8;
	[tilespmem:$0xF800] =	vst v63  }
0xec: {  	v3 =	vld [tilespmem:s17+$0x0];
	_ =	sdelay $0x4  }
0xed: {  	v59 =	vshll.u32 v3, $0x2  }
0xee: {  	v3 =	vand.u32 $0x7, v3;
	v4 =	vand.u32 $0xFFFFFFE0, v59  }
0xef: {  	v3 =	vor.u32 v3, v4  }
0xf0: {  	v4 =	vperm.xlane v3, v0;
	_ =	sdelay $0x1  }
0xf1: {  	v4 =	vadd.s32 v1, v4;
	_ =	sdelay $0x1  }
0xf2: {  	v3 =	vperm.xlane v3, v2;
	_ =	sdelay $0x1  }
0xf3: {  	s20 =	simm.s32 $0x2800;
	v3 =	vadd.s32 v1, v3  }
0xf4: {  	[tilespmem:s20], [sflag:$0x1] =	stream.indirect_vreg.gather [hbm4b:s2+s3], $0x80, v4, vm0, $0xb8;
	[tilespmem:$0xF800] =	vst v63  }
0xf5: {  	s21 =	simm.s32 $0x3000  }
0xf6: {  	[tilespmem:s21], [sflag:$0x1] =	stream.indirect_vreg.gather [hbm4b:s8+s3], $0x80, v4, vm0, $0xb8;
	[tilespmem:$0xF800] =	vst v63  }
0xf7: {  	s20 =	simm.s32 $0x3800  }
0xf8: {  	[tilespmem:s20], [sflag:$0x1] =	stream.indirect_vreg.gather [hbm4b:s2+s3], $0x80, v3, vm0, $0xb8;
	[tilespmem:$0xF800] =	vst v63  }
0xf9: {  	s21 =	simm.s32 $0x4000  }
0xfa: {  	[tilespmem:s21], [sflag:$0x1] =	stream.indirect_vreg.gather [hbm4b:s8+s3], $0x80, v3, vm0, $0xb8;
	[tilespmem:$0xF800] =	vst v63  }
0xfb: {  	_ =	swait.ge [sflag:s31], $0x4000  }
0xfc: {  	s20 =	smin.u32 s16, $0x3B;
	[sflag:s31] =	ssyncset.done $0x0  }
0xfd: {  	s20 =	sshll.u32 s20, $0x5;
	[sflag:s31] =	ssyncadd.s32 $0xFFFFC000  }
0xfe: {  	v3 =	vld [tilespmem:s20+$0x80];
	_ =	sdelay $0x4  }
0xff: {  	v60 =	vshll.u32 v3, $0x2  }
0x100: {  	v3 =	vand.u32 $0x7, v3;
	v4 =	vand.u32 $0xFFFFFFE0, v60  }
0x101: {  	v3 =	vor.u32 v3, v4  }
0x102: {  	v4 =	vperm.xlane v3, v0;
	_ =	sdelay $0x1  }
0x103: {  	v4 =	vadd.s32 v1, v4;
	_ =	sdelay $0x1  }
0x104: {  	v3 =	vperm.xlane v3, v2;
	_ =	sdelay $0x1  }
0x105: {  	v3 =	vadd.s32 v1, v3  }
0x106: {  	[tilespmem:s18], [sflag:$0x2] =	stream.indirect_vreg.gather [hbm4b:s2+s3], $0x80, v4, vm0, $0xb8;
	[tilespmem:$0xF800] =	vst v63  }
0x107: {  	s21 =	simm.s32 $0x5000  }
0x108: {  	[tilespmem:s21], [sflag:$0x2] =	stream.indirect_vreg.gather [hbm4b:s8+s3], $0x80, v4, vm0, $0xb8;
	[tilespmem:$0xF800] =	vst v63  }
0x109: {  	s21 =	simm.s32 $0x5800  }
0x10a: {  	[tilespmem:s21], [sflag:$0x2] =	stream.indirect_vreg.gather [hbm4b:s2+s3], $0x80, v3, vm0, $0xb8;
	[tilespmem:$0xF800] =	vst v63  }
0x10b: {  	s21 =	simm.s32 $0x6000  }
0x10c: {  	[tilespmem:s21], [sflag:$0x2] =	stream.indirect_vreg.gather [hbm4b:s8+s3], $0x80, v3, vm0, $0xb8;
	[tilespmem:$0xF800] =	vst v63  }
0x10d: {  	v3 =	vld [tilespmem:s20+$0x90];
	_ =	sdelay $0x4  }
0x10e: {  	v61 =	vshll.u32 v3, $0x2  }
0x10f: {  	v3 =	vand.u32 $0x7, v3;
	v4 =	vand.u32 $0xFFFFFFE0, v61  }
0x110: {  	v3 =	vor.u32 v3, v4  }
0x111: {  	v4 =	vperm.xlane v3, v0;
	_ =	sdelay $0x1  }
0x112: {  	v4 =	vadd.s32 v1, v4;
	_ =	sdelay $0x1  }
0x113: {  	v3 =	vperm.xlane v3, v2;
	_ =	sdelay $0x1  }
0x114: {  	v3 =	vadd.s32 v1, v3  }
0x115: {  	[tilespmem:s22], [sflag:$0x2] =	stream.indirect_vreg.gather [hbm4b:s2+s3], $0x80, v4, vm0, $0xb8;
	[tilespmem:$0xF800] =	vst v63  }
0x116: {  	_ = 	snop  }
0x117: {  	[tilespmem:s23], [sflag:$0x2] =	stream.indirect_vreg.gather [hbm4b:s8+s3], $0x80, v4, vm0, $0xb8;
	[tilespmem:$0xF800] =	vst v63  }
0x118: {  	_ = 	snop  }
0x119: {  	[tilespmem:s24], [sflag:$0x2] =	stream.indirect_vreg.gather [hbm4b:s2+s3], $0x80, v3, vm0, $0xb8;
	[tilespmem:$0xF800] =	vst v63  }
0x11a: {  	_ = 	snop  }
0x11b: {  	[tilespmem:s25], [sflag:$0x2] =	stream.indirect_vreg.gather [hbm4b:s8+s3], $0x80, v3, vm0, $0xb8;
	[tilespmem:$0xF800] =	vst v63  }
0x11c: {  	_ =	swait.ge [sflag:s1], $0x4000  }
0x11d: {  	s21 =	smin.u32 s16, $0x3A;
	[sflag:s1] =	ssyncset.done $0x0  }
0x11e: {  	s20 =	sshll.u32 s21, $0x5;
	[sflag:s1] =	ssyncadd.s32 $0xFFFFC000  }
0x11f: {  	v3 =	vld [tilespmem:s20+$0xA0];
	_ =	sdelay $0x4  }
0x120: {  	v62 =	vshll.u32 v3, $0x2  }
0x121: {  	v3 =	vand.u32 $0x7, v3;
	v4 =	vand.u32 $0xFFFFFFE0, v62  }
0x122: {  	v3 =	vor.u32 v3, v4  }
0x123: {  	v4 =	vperm.xlane v3, v0;
	_ =	sdelay $0x1  }
0x124: {  	v4 =	vadd.s32 v1, v4;
	_ =	sdelay $0x1  }
0x125: {  	v3 =	vperm.xlane v3, v2;
	_ =	sdelay $0x1  }
0x126: {  	v3 =	vadd.s32 v1, v3  }
0x127: {  	[tilespmem:s26], [sflag:$0x3] =	stream.indirect_vreg.gather [hbm4b:s2+s3], $0x80, v4, vm0, $0xb8;
	[tilespmem:$0xF800] =	vst v63  }
0x128: {  	_ = 	snop  }
0x129: {  	[tilespmem:s6], [sflag:$0x3] =	stream.indirect_vreg.gather [hbm4b:s8+s3], $0x80, v4, vm0, $0xb8;
	[tilespmem:$0xF800] =	vst v63  }
0x12a: {  	_ = 	snop  }
0x12b: {  	[tilespmem:s7], [sflag:$0x3] =	stream.indirect_vreg.gather [hbm4b:s2+s3], $0x80, v3, vm0, $0xb8;
	[tilespmem:$0xF800] =	vst v63  }
0x12c: {  	_ = 	snop  }
0x12d: {  	[tilespmem:s9], [sflag:$0x3] =	stream.indirect_vreg.gather [hbm4b:s8+s3], $0x80, v3, vm0, $0xb8;
	[tilespmem:$0xF800] =	vst v63  }
0x12e: {  	v3 =	vld [tilespmem:s20+$0xB0];
	_ =	sdelay $0x4  }
0x12f: {  	v63 =	vshll.u32 v3, $0x2  }
0x130: {  	v3 =	vand.u32 $0x7, v3;
	v4 =	vand.u32 $0xFFFFFFE0, v63  }
0x131: {  	v3 =	vor.u32 v3, v4  }
0x132: {  	v4 =	vperm.xlane v3, v0;
	_ =	sdelay $0x1  }
0x133: {  	v4 =	vadd.s32 v1, v4;
	_ =	sdelay $0x2  }
0x134: {  	v3 =	vperm.xlane v3, v2;
	_ =	sdelay $0x1  }
0x135: {  	v3 =	vadd.s32 v1, v3;
	[tilespmem:s14], [sflag:$0x3] =	stream.indirect_vreg.gather [hbm4b:s2+s3], $0x80, v4, vm0, $0xb8;
	[tilespmem:$0xF800] =	vst v63  }
0x136: {  	p0 =	sne.s32 s19, $0x1E000  }
0x137: {  	[tilespmem:s15], [sflag:$0x3] =	stream.indirect_vreg.gather [hbm4b:s8+s3], $0x80, v4, vm0, $0xb8;
	[tilespmem:$0xF800] =	vst v63  }
.Ltmp1:
0x138: {  	_ = 	snop;
	(pc) =	sbr.rel @p0 .LBB2_4-.Ltmp1, $4  }
0x139: {  	_ = 	snop  }
0x13a: {  	[tilespmem:s10], [sflag:$0x3] =	stream.indirect_vreg.gather [hbm4b:s2+s3], $0x80, v3, vm0, $0xb8;
	[tilespmem:$0xF800] =	vst v63  }
0x13b: {  	s19 =	sadd.s32 $0x1800, s19;
	s17 =	sadd.s32 $0x60, s17;
	s16 =	sadd.s32 $0x3, s16  }
0x13c: {  	[tilespmem:s11], [sflag:$0x3] =	stream.indirect_vreg.gather [hbm4b:s8+s3], $0x80, v3, vm0, $0xb8;
	[tilespmem:$0xF800] =	vst v63  }
0x13d: {  	_ =	swait.ge [sflag:s12], $0x4000  }
0x13e: {  	[sflag:s12] =	ssyncset.done $0x0  }
0x13f: {  	s16 =	rddreg [dreg:$0x6];
	[sflag:s12] =	ssyncadd.s32 $0xFFFFC000  }
0x140: {  	[hbm4b:s16+s3] =	stream.linear.scatter [tilespmem:s28], [sflag:$0x4], $0x4000, $0x38;
	[tilespmem:$0xF800] =	vst v63  }
0x141: {  	_ =	swait.ge [sflag:s13], $0x4000  }
0x142: {  	[sflag:s13] =	ssyncset.done $0x0  }
0x143: {  	[sflag:s13] =	ssyncadd.s32 $0xFFFFC000  }
0x144: {  	_ =	swait.ge [sflag:s29], $0x4000  }
0x145: {  	[sflag:s29] =	ssyncset.done $0x0  }
0x146: {  	[sflag:s29] =	ssyncadd.s32 $0xFFFFC000  }
0x147: {  	_ =	swait.ge [sflag:s30], $0x4000  }
0x148: {  	[sflag:s30] =	ssyncset.done $0x0  }
0x149: {  	[sflag:s30] =	ssyncadd.s32 $0xFFFFC000  }
0x14a: {  	_ =	swait.ge [sflag:s0], $0x80  }
0x14b: {  	[sflag:s0] =	ssyncset.done $0x0  }
0x14c: {  	[sflag:s0] =	ssyncadd.s32 $0xFFFFFF80  }
0x14d: {  	_ =	swait.ge [sflag:s0], $0x80  }
0x14e: {  	[sflag:s0] =	ssyncset.done $0x0  }
0x14f: {  	[sflag:s0] =	ssyncadd.s32 $0xFFFFFF80  }
0x150: {  	_ =	swait.ge [sflag:s0], $0x80  }
0x151: {  	[sflag:s0] =	ssyncset.done $0x0  }
0x152: {  	[sflag:s0] =	ssyncadd.s32 $0xFFFFFF80  }
0x153: {  	_ =	swait.ge [sflag:s0], $0x80  }
0x154: {  	[sflag:s0] =	ssyncset.done $0x0  }
0x155: {  	[sflag:s0] =	ssyncadd.s32 $0xFFFFFF80  }
0x156: {  	_ =	swait.ge [sflag:s0], $0x80  }
0x157: {  	[sflag:s0] =	ssyncset.done $0x0  }
0x158: {  	[sflag:s0] =	ssyncadd.s32 $0xFFFFFF80  }
0x159: {  	_ =	swait.ge [sflag:s0], $0x80  }
0x15a: {  	[sflag:s0] =	ssyncset.done $0x0  }
0x15b: {  	[sflag:s0] =	ssyncadd.s32 $0xFFFFFF80  }
0x15c: {  	_ =	swait.ge [sflag:s0], $0x80  }
0x15d: {  	[sflag:s0] =	ssyncset.done $0x0  }
0x15e: {  	[sflag:s0] =	ssyncadd.s32 $0xFFFFFF80  }
0x15f: {  	_ =	swait.ge [sflag:s0], $0x80  }
0x160: {  	[sflag:s0] =	ssyncset.done $0x0  }
0x161: {  	[sflag:s0] =	ssyncadd.s32 $0xFFFFFF80  }
0x162: {  	_ =	swait.ge [sflag:s0], $0x80  }
0x163: {  	[sflag:s0] =	ssyncset.done $0x0  }
0x164: {  	[sflag:s0] =	ssyncadd.s32 $0xFFFFFF80  }
0x165: {  	_ =	swait.ge [sflag:s0], $0x80  }
0x166: {  	[sflag:s0] =	ssyncset.done $0x0  }
0x167: {  	[sflag:s0] =	ssyncadd.s32 $0xFFFFFF80  }
0x168: {  	_ =	swait.ge [sflag:s0], $0x80  }
0x169: {  	[sflag:s0] =	ssyncset.done $0x0  }
0x16a: {  	[sflag:s0] =	ssyncadd.s32 $0xFFFFFF80  }
0x16b: {  	_ =	swait.ge [sflag:s0], $0x80  }
0x16c: {  	[sflag:s0] =	ssyncset.done $0x0  }
0x16d: {  	[sflag:s0] =	ssyncadd.s32 $0xFFFFFF80  }
0x16e: {  	_ =	swait.ge [sflag:s0], $0x80  }
0x16f: {  	[sflag:s0] =	ssyncset.done $0x0  }
0x170: {  	[sflag:s0] =	ssyncadd.s32 $0xFFFFFF80  }
0x171: {  	_ =	swait.ge [sflag:s0], $0x80  }
0x172: {  	[sflag:s0] =	ssyncset.done $0x0  }
0x173: {  	[sflag:s0] =	ssyncadd.s32 $0xFFFFFF80  }
0x174: {  	_ =	swait.ge [sflag:s0], $0x80  }
0x175: {  	[sflag:s0] =	ssyncset.done $0x0  }
0x176: {  	[sflag:s0] =	ssyncadd.s32 $0xFFFFFF80  }
0x177: {  	_ =	swait.ge [sflag:s0], $0x80  }
0x178: {  	[sflag:s0] =	ssyncset.done $0x0  }
0x179: {  	[sflag:s0] =	ssyncadd.s32 $0xFFFFFF80  }
0x17a: {  	_ =	swait.ge [sflag:s0], $0x80  }
0x17b: {  	[sflag:s0] =	ssyncset.done $0x0  }
0x17c: {  	[sflag:s0] =	ssyncadd.s32 $0xFFFFFF80  }
0x17d: {  	_ =	swait.ge [sflag:s0], $0x80  }
0x17e: {  	[sflag:s0] =	ssyncset.done $0x0  }
0x17f: {  	[sflag:s0] =	ssyncadd.s32 $0xFFFFFF80  }
0x180: {  	_ =	swait.ge [sflag:s0], $0x80  }
0x181: {  	[sflag:s0] =	ssyncset.done $0x0  }
0x182: {  	[sflag:s0] =	ssyncadd.s32 $0xFFFFFF80  }
0x183: {  	_ =	swait.ge [sflag:s0], $0x80  }
0x184: {  	[sflag:s0] =	ssyncset.done $0x0  }
0x185: {  	[sflag:s0] =	ssyncadd.s32 $0xFFFFFF80  }
0x186: {  	_ =	swait.ge [sflag:s0], $0x80  }
0x187: {  	[sflag:s0] =	ssyncset.done $0x0  }
0x188: {  	[sflag:s0] =	ssyncadd.s32 $0xFFFFFF80  }
0x189: {  	_ =	swait.ge [sflag:s0], $0x80  }
0x18a: {  	[sflag:s0] =	ssyncset.done $0x0  }
0x18b: {  	[sflag:s0] =	ssyncadd.s32 $0xFFFFFF80  }
0x18c: {  	_ =	swait.ge [sflag:s0], $0x80  }
0x18d: {  	[sflag:s0] =	ssyncset.done $0x0  }
0x18e: {  	[sflag:s0] =	ssyncadd.s32 $0xFFFFFF80  }
0x18f: {  	_ =	swait.ge [sflag:s0], $0x80  }
0x190: {  	[sflag:s0] =	ssyncset.done $0x0  }
0x191: {  	[sflag:s0] =	ssyncadd.s32 $0xFFFFFF80  }
0x192: {  	_ =	swait.ge [sflag:s0], $0x80  }
0x193: {  	[sflag:s0] =	ssyncset.done $0x0  }
0x194: {  	[sflag:s0] =	ssyncadd.s32 $0xFFFFFF80  }
0x195: {  	_ =	swait.ge [sflag:s0], $0x80  }
0x196: {  	[sflag:s0] =	ssyncset.done $0x0  }
0x197: {  	[sflag:s0] =	ssyncadd.s32 $0xFFFFFF80  }
0x198: {  	_ =	swait.ge [sflag:s0], $0x80  }
0x199: {  	[sflag:s0] =	ssyncset.done $0x0  }
0x19a: {  	[sflag:s0] =	ssyncadd.s32 $0xFFFFFF80  }
0x19b: {  	_ =	swait.ge [sflag:s0], $0x80  }
0x19c: {  	[sflag:s0] =	ssyncset.done $0x0  }
0x19d: {  	[sflag:s0] =	ssyncadd.s32 $0xFFFFFF80  }
0x19e: {  	_ =	swait.ge [sflag:s0], $0x80  }
0x19f: {  	[sflag:s0] =	ssyncset.done $0x0  }
0x1a0: {  	[sflag:s0] =	ssyncadd.s32 $0xFFFFFF80  }
0x1a1: {  	_ =	swait.ge [sflag:s0], $0x80  }
0x1a2: {  	[sflag:s0] =	ssyncset.done $0x0  }
0x1a3: {  	[sflag:s0] =	ssyncadd.s32 $0xFFFFFF80  }
0x1a4: {  	_ =	swait.ge [sflag:s0], $0x80  }
0x1a5: {  	[sflag:s0] =	ssyncset.done $0x0  }
0x1a6: {  	[sflag:s0] =	ssyncadd.s32 $0xFFFFFF80  }
0x1a7: {  	_ =	swait.ge [sflag:s0], $0x80  }
0x1a8: {  	[sflag:s0] =	ssyncset.done $0x0  }
0x1a9: {  	s17 =	simm.s32 $0xE800;
	s19 =	rddreg [dreg:$0x7];
	[sflag:s0] =	ssyncadd.s32 $0xFFFFFF80  }
0x1aa: {  	[hbm4b:s19+s3] =	stream.linear.scatter [tilespmem:s17], [sflag:$0x8], $0x1000, $0x38;
	[tilespmem:$0xF800] =	vst v63  }
0x1ab: {  	s19 =	simm.s32 $0x8  }
0x1ac: {  	_ =	swait.ge [sflag:s19], $0x1000  }
0x1ad: {  	s20 =	rddreg [dreg:$0x9]  }
0x1ae: {  	s21 =	rddreg [dreg:$0x8];
	s17 =	sadd.s32 $0x1, s20  }
0x1af: {  	p0 =	sne.s32 s17, s21  }
.Ltmp2:
0x1b0: {  	_ = 	snop;
	(pc) =	sbr.rel @p0 .LBB2_1-.Ltmp2, $3  }
0x1b1: {  	_ =	sdelay $0x1  }
0x1b2: {  	[sflag:s19] =	ssyncset.done $0x0  }
0x1b3: {  	[sflag:s19] =	ssyncadd.s32 $0xFFFFF000  }
0x1b4: {  	_ =	sfence.sel $0x180000  }
0x1b5: {  	[bflag:$0x0] =	sbarrier.arrive $0xFFFF  }
0x1b6: {  	_ =	strace $0x90000047  }
0x1b7: {  	s0 =	stileid.u32;
	[bflag:$0x2] =	sbarrier.arrive $0xFFFF  }
0x1b8: {  	p0 =	sne.s32 s0, $0x0;
	s0 =	rddreg [dreg:$0x2]  }
0x1b9: {  	s0 =	sadd.s32 @!p0 $0x100000, s0  }
0x1ba: {  	[sflag:s0] =	ssyncadd.tile.s32 @!p0 $0x1;
	_ =	shalt  }
.Lfunc_end2:
_tile_overlayer_lowered:
.L_overlay_start_2:
0x1bb: {  	(tag) =	ssettag $0x2  }
0x1bc: {  	s0 =	rddreg [dreg:$0x0];
	s2 =	stileid.u32  }
0x1bd: {  	s1 =	rddreg [dreg:$0x1];
	p0 =	sne.s32 s2, $0x0  }
0x1be: {  	s3 =	rddreg [dreg:$0x2];
	[bflag:$0x3] =	sbarrier.arrive $0xFFFF;
	s2 =	simm.s32 @!p0 $0x1C08  }
0x1bf: {  	[timem:s3], [sflag:s2] =	dma.local @!p0 [hbm:s0], s1  }
0x1c0: {  	s0 =	simm.s32 @!p0 $0x8  }
0x1c1: {  	_ =	swait.ge @!p0 [sflag:s0], s1  }
0x1c2: {  	s1 =	ssub.s32 @!p0 $0x0, s1;
	[sflag:s0] =	ssyncset.done @!p0 $0x0  }
0x1c3: {  	[sflag:s0] =	ssyncadd.s32 @!p0 s1  }
0x1c4: {  	[bflag:$0x3] =	sbarrier.arrive $0xFFFF  }
0x1c5: {  	_ =	shalt  }

</sc_bundles>
